<compile_context>
chip_gen: v7x
topology: tpu7x:2x2x1
jax: 0.10.2.dev20260603
libtpu: 0.0.44.dev20260713+nightly
codegen_flags: <defaults>
</compile_context>

<pallas_src>
import functools

import jax
import jax.numpy as jnp
from jax import lax
from jax.experimental import pallas as pl
from jax.experimental.pallas import tpu as pltpu
from jax.experimental.pallas import tpu_sc as plsc

N = 10000
E = 320000
IN_CH = 128
HID = 64
W128 = 128
DW = 128

NC = 2
NS = 16
NW = NC * NS
CHUNK = 128
CPW = 80
EPW = CPW * CHUNK
EPAD = NW * EPW
RPT = 640
ACC_ROWS = NS * RPT
MB = 1000



@functools.cache
def _sc_kernels():
    mesh = plsc.VectorSubcoreMesh(
        core_axis_name="c", subcore_axis_name="s", num_cores=NC, num_subcores=NS
    )
    return (_build_sc_degree(mesh), _build_sc_agg(mesh))


def _build_sc_degree(_MESH):
    return functools.partial(
        pl.kernel,
        out_type=jax.ShapeDtypeStruct((NC * ACC_ROWS, DW), jnp.float32),
        mesh=_MESH,
        scratch_types=[
            pltpu.VMEM((CHUNK,), jnp.int32),
            pltpu.VMEM((CHUNK, DW), jnp.float32),
            pltpu.VMEM_SHARED((ACC_ROWS, DW), jnp.float32),
        ],
    )(_sc_degree_body)


def _sc_degree_body(dst_hbm, ones_hbm, zeros_hbm, out_hbm, idx_v, ones_v, acc):
    c = lax.axis_index("c")
    s = lax.axis_index("s")
    wid = s * NC + c
    pltpu.sync_copy(zeros_hbm, acc.at[pl.ds(s * RPT, RPT)])
    pltpu.sync_copy(ones_hbm, ones_v)
    plsc.subcore_barrier()
    base = wid * EPW

    def body(j, carry):
        pltpu.sync_copy(dst_hbm.at[pl.ds(base + j * CHUNK, CHUNK)], idx_v)
        pltpu.sync_copy(ones_v, acc.at[idx_v], add=True)
        return carry

    lax.fori_loop(0, CPW, body, 0)
    plsc.subcore_barrier()
    pltpu.sync_copy(
        acc.at[pl.ds(s * RPT, RPT)],
        out_hbm.at[pl.ds(c * ACC_ROWS + s * RPT, RPT)],
    )


def _build_sc_agg(_MESH):
    return functools.partial(
        pl.kernel,
        out_type=jax.ShapeDtypeStruct((NC * ACC_ROWS, W128), jnp.float32),
        mesh=_MESH,
        scratch_types=[
            pltpu.VMEM((CHUNK,), jnp.int32),
            pltpu.VMEM((CHUNK,), jnp.int32),
            pltpu.VMEM((CHUNK,), jnp.int32),
            pltpu.VMEM((CHUNK,), jnp.int32),
            pltpu.VMEM((CHUNK, W128), jnp.float32),
            pltpu.VMEM((CHUNK, W128), jnp.float32),
            pltpu.VMEM_SHARED((ACC_ROWS, W128), jnp.float32),
            pltpu.SemaphoreType.DMA,
            pltpu.SemaphoreType.DMA,
            pltpu.SemaphoreType.DMA,
            pltpu.SemaphoreType.DMA,
            pltpu.SemaphoreType.DMA,
            pltpu.SemaphoreType.DMA,
        ],
    )(_sc_agg_body)


def _sc_agg_body(h_hbm, src_hbm, dst_hbm, zeros_hbm, out_hbm,
                 sidx0, sidx1, didx0, didx1, rows0, rows1, acc,
                 semi0, semi1, semg0, semg1, sems0, sems1):
    c = lax.axis_index("c")
    s = lax.axis_index("s")
    wid = s * NC + c
    pltpu.sync_copy(zeros_hbm, acc.at[pl.ds(s * RPT, RPT)])
    plsc.subcore_barrier()
    base = wid * EPW

    def issue_idx(j, si, di, sem):
        start = base + j * CHUNK
        pltpu.async_copy(src_hbm.at[pl.ds(start, CHUNK)], si, sem)
        pltpu.async_copy(dst_hbm.at[pl.ds(start, CHUNK)], di, sem)

    def drain_idx(si, di, sem):
        pltpu.make_async_copy(src_hbm.at[pl.ds(0, CHUNK)], si, sem).wait()
        pltpu.make_async_copy(dst_hbm.at[pl.ds(0, CHUNK)], di, sem).wait()

    issue_idx(0, sidx0, didx0, semi0)
    issue_idx(1, sidx1, didx1, semi1)

    def body(i, carry):
        drain_idx(sidx0, didx0, semi0)
        g0 = pltpu.async_copy(h_hbm.at[sidx0], rows0, semg0)
        drain_idx(sidx1, didx1, semi1)
        g1 = pltpu.async_copy(h_hbm.at[sidx1], rows1, semg1)
        g0.wait()
        s0 = pltpu.async_copy(rows0, acc.at[didx0], sems0, add=True)
        g1.wait()
        s1 = pltpu.async_copy(rows1, acc.at[didx1], sems1, add=True)
        s0.wait()
        s1.wait()

        @pl.when(i < CPW // 2 - 1)
        def _():
            issue_idx(2 * i + 2, sidx0, didx0, semi0)
            issue_idx(2 * i + 3, sidx1, didx1, semi1)

        return carry

    lax.fori_loop(0, CPW // 2, body, 0)
    plsc.subcore_barrier()
    pltpu.sync_copy(
        acc.at[pl.ds(s * RPT, RPT)],
        out_hbm.at[pl.ds(c * ACC_ROWS + s * RPT, RPT)],
    )



def _dinv_of(degp_ref):
    deg = degp_ref[0, :, :1] + degp_ref[1, :, :1] + 1.0
    return lax.rsqrt(deg)


def _mm_prescale_body(x_ref, w_ref, degp_ref, out_ref):
    h = jnp.dot(x_ref[...], w_ref[...], preferred_element_type=jnp.float32)
    out_ref[...] = h * _dinv_of(degp_ref)


def _mid_body(aggp_ref, hp_ref, degp_ref, b_ref, w_ref, out_ref):
    dinv = _dinv_of(degp_ref)
    u = (aggp_ref[0] + aggp_ref[1] + hp_ref[...]) * dinv + b_ref[...]
    t = jnp.maximum(u, 0.0)
    h = jnp.dot(t, w_ref[...], preferred_element_type=jnp.float32)
    out_ref[...] = h * dinv


def _tail_body(aggp_ref, hp_ref, degp_ref, b2_ref, wh1_ref, bh1_ref,
               wh2_ref, bh2_ref, out_ref):
    dinv = _dinv_of(degp_ref)
    u = (aggp_ref[0] + aggp_ref[1] + hp_ref[...]) * dinv + b2_ref[...]
    g = jnp.maximum(u, 0.0)
    t = jnp.dot(g, wh1_ref[...], preferred_element_type=jnp.float32)
    t = jnp.maximum(t + bh1_ref[...], 0.0)
    out_ref[...] = jnp.dot(t, wh2_ref[...], preferred_element_type=jnp.float32) + bh2_ref[...]


def _row_spec(width):
    return pl.BlockSpec((MB, width), lambda i: (i, 0))


def _full_spec(shape):
    nd = len(shape)
    return pl.BlockSpec(shape, lambda i: (0,) * nd)


_PART_SPEC = pl.BlockSpec((2, MB, W128), lambda i: (0, i, 0))
_DEG_SPEC = pl.BlockSpec((2, MB, DW), lambda i: (0, i, 0))

_GRID = (N // MB,)

_mm_prescale = pl.pallas_call(
    _mm_prescale_body,
    grid=_GRID,
    in_specs=[_row_spec(IN_CH), _full_spec((IN_CH, W128)), _DEG_SPEC],
    out_specs=_row_spec(W128),
    out_shape=jax.ShapeDtypeStruct((N, W128), jnp.float32),
)

_mid = pl.pallas_call(
    _mid_body,
    grid=_GRID,
    in_specs=[_PART_SPEC, _row_spec(W128), _DEG_SPEC,
              _full_spec((1, W128)), _full_spec((W128, W128))],
    out_specs=_row_spec(W128),
    out_shape=jax.ShapeDtypeStruct((N, W128), jnp.float32),
)

_tail = pl.pallas_call(
    _tail_body,
    grid=_GRID,
    in_specs=[_PART_SPEC, _row_spec(W128), _DEG_SPEC,
              _full_spec((1, W128)), _full_spec((W128, W128)),
              _full_spec((1, W128)), _full_spec((W128, W128)),
              _full_spec((1, W128))],
    out_specs=_row_spec(W128),
    out_shape=jax.ShapeDtypeStruct((N, W128), jnp.float32),
)


def _padw(a, rows=None):
    r = a.shape[0] if rows is None else rows
    out = jnp.zeros((r, W128), jnp.float32)
    return out.at[: a.shape[0], : a.shape[1]].set(a)


def kernel(x, edge_index, W1, b1, W2, b2, Wh1, bh1, Wh2, bh2):
    ei = edge_index.astype(jnp.int32)
    pad = EPAD - E
    src_p = jnp.concatenate([ei[0], jnp.zeros((pad,), jnp.int32)])
    dst_p = jnp.concatenate([ei[1], jnp.full((pad,), N, jnp.int32)])

    ones_d = jnp.ones((CHUNK, DW), jnp.float32)
    zeros128 = jnp.zeros((RPT, W128), jnp.float32)

    _sc_degree, _sc_agg = _sc_kernels()
    degp = _sc_degree(dst_p, ones_d, zeros128).reshape(NC, ACC_ROWS, DW)

    h1p = _mm_prescale(x, _padw(W1), degp)
    agg1 = _sc_agg(h1p, src_p, dst_p, zeros128).reshape(NC, ACC_ROWS, W128)

    h2p = _mid(agg1, h1p, degp, _padw(b1.reshape(1, HID)), _padw(W2, W128))
    agg2 = _sc_agg(h2p, src_p, dst_p, zeros128).reshape(NC, ACC_ROWS, W128)

    y = _tail(agg2, h2p, degp, _padw(b2.reshape(1, HID)),
              _padw(Wh1, W128), _padw(bh1.reshape(1, HID // 2)),
              _padw(Wh2, W128), _padw(bh2.reshape(1, 2)))
    return y[:, :2]

# --- scband reference (transcript-rebuilt; emitter-appended) ---
"""Pipeline reference for scband-gcnbaseline-790273982720 (READ-ONLY COPY).

The authoritative reference and input builder live on the scoring server;
editing this copy changes nothing except your own understanding.
"""

import jax, jax.numpy as jnp
import numpy as np

N_NODES = 10000
N_EDGES = 320000
IN_CH = 128
HID = 64


def setup_inputs(seed: int = 0) -> dict:
    key = jax.random.key(seed)
    ks = jax.random.split(key, 12)
    x = jax.random.normal(ks[0], (N_NODES, IN_CH), dtype=jnp.float32)
    edge_index = jax.random.randint(ks[1], (2, N_EDGES), 0, N_NODES, dtype=jnp.int64)
    W1 = jax.random.normal(ks[2], (IN_CH, HID), dtype=jnp.float32) * (1.0 / np.sqrt(IN_CH))
    b1 = jnp.zeros((HID,), dtype=jnp.float32)
    W2 = jax.random.normal(ks[3], (HID, HID), dtype=jnp.float32) * (1.0 / np.sqrt(HID))
    b2 = jnp.zeros((HID,), dtype=jnp.float32)
    Wh1 = jax.random.normal(ks[4], (HID, HID // 2), dtype=jnp.float32) * (1.0 / np.sqrt(HID))
    bh1 = jnp.zeros((HID // 2,), dtype=jnp.float32)
    Wh2 = jax.random.normal(ks[5], (HID // 2, 2), dtype=jnp.float32) * (1.0 / np.sqrt(HID // 2))
    bh2 = jnp.zeros((2,), dtype=jnp.float32)
    return {"x": x, "edge_index": edge_index, "W1": W1, "b1": b1, "W2": W2, "b2": b2, "Wh1": Wh1, "bh1": bh1, "Wh2": Wh2, "bh2": bh2}


def _gcn_conv(x, edge_index, W, b, num_nodes):
    # GCNConv: out = D^{-1/2} (A + I) D^{-1/2} X W + b  (add_self_loops=True, normalize=True)
    src = edge_index[0]
    dst = edge_index[1]
    loop = jnp.arange(num_nodes, dtype=edge_index.dtype)
    src = jnp.concatenate([src, loop])
    dst = jnp.concatenate([dst, loop])
    ones = jnp.ones(src.shape[0], dtype=jnp.float32)
    deg = jnp.zeros((num_nodes,), dtype=jnp.float32).at[dst].add(ones)
    deg_inv_sqrt = jnp.where(deg > 0, jax.lax.rsqrt(jnp.maximum(deg, 1e-12)), 0.0)
    norm = deg_inv_sqrt[src] * deg_inv_sqrt[dst]
    h = x @ W
    msg = h[src] * norm[:, None]
    out = jnp.zeros((num_nodes, W.shape[1]), dtype=jnp.float32).at[dst].add(msg)
    return out + b


def reference(x, edge_index, W1, b1, W2, b2, Wh1, bh1, Wh2, bh2):
    n = x.shape[0]
    h = _gcn_conv(x, edge_index, W1, b1, n)
    h = jax.nn.relu(h)
    # dropout is identity in eval mode
    h = _gcn_conv(h, edge_index, W2, b2, n)
    h = jax.nn.relu(h)
    h = jax.nn.relu(h @ Wh1 + bh1)
    return h @ Wh2 + bh2

if __name__ == "__main__":
    import jax
    _d = setup_inputs()
    print(jax.jit(kernel)(*tuple(_d.values())))

</pallas_src>

<mosaic_0001>
#map = affine_map<(d0, d1) -> (0)>
#map1 = affine_map<(d0, d1) -> (0, 0)>
module attributes {stable_mosaic.version = 14 : i64} {
  func.func @_sc_degree_body(%arg0: i32, %arg1: i32, %arg2: memref<327680xi32, #tpu.memory_space<hbm>>, %arg3: memref<128x128xf32, #tpu.memory_space<hbm>>, %arg4: memref<640x128xf32, #tpu.memory_space<hbm>>, %arg5: memref<20480x128xf32, #tpu.memory_space<hbm>>, %arg6: memref<128xi32, #tpu.memory_space<vmem>>, %arg7: memref<128x128xf32, #tpu.memory_space<vmem>>, %arg8: memref<10240x128xf32, #tpu.memory_space<vmem_shared>>) attributes {dimension_semantics = [#tpu.dimension_semantics<core_parallel>, #tpu.dimension_semantics<subcore_parallel>], iteration_bounds = array<i64: 2, 16>, scalar_prefetch = 0 : i64, scratch_operands = 3 : i64, tpu.core_type = #tpu.core_type<sc_vector_subcore>, window_params = [{transform_indices = #map}, {transform_indices = #map1}, {transform_indices = #map1}, {transform_indices = #map1}]} {
    %mul3A = arith.constant 2 : i32
    %mul3A_0 = arith.muli %arg1, %mul3A : i32
    %add3A = arith.addi %mul3A_0, %arg0 : i32
    %mul3A_1 = arith.constant 640 : i32
    %mul3A_2 = arith.muli %arg1, %mul3A_1 : i32
    "tpu.region"() ({
      %run_scoped3A = tpu.sem_alloc : memref<!tpu.dma_semaphore, #tpu.memory_space<semaphore_mem>>
      %dma_start3A = arith.constant 0 : i32
      %dma_start3A_18 = tpu.memref_slice %arg8[%mul3A_2, %dma_start3A] : memref<10240x128xf32, #tpu.memory_space<vmem_shared>> -> memref<640x128xf32, #tpu.memory_space<vmem_shared>>
      tpu.enqueue_dma source(%arg4 : memref<640x128xf32, #tpu.memory_space<hbm>>) target(%dma_start3A_18 : memref<640x128xf32, #tpu.memory_space<vmem_shared>>) target_semaphore(%run_scoped3A : memref<!tpu.dma_semaphore, #tpu.memory_space<semaphore_mem>>)
      %dma_wait3A = arith.constant 0 : i32
      %dma_wait3A_19 = tpu.memref_slice %arg8[%mul3A_2, %dma_wait3A] : memref<10240x128xf32, #tpu.memory_space<vmem_shared>> -> memref<640x128xf32, #tpu.memory_space<vmem_shared>>
      tpu.wait_dma2 semaphore(%run_scoped3A : memref<!tpu.dma_semaphore, #tpu.memory_space<semaphore_mem>>) src(%arg4 : memref<640x128xf32, #tpu.memory_space<hbm>>) dst(%dma_wait3A_19 : memref<640x128xf32, #tpu.memory_space<vmem_shared>>)
      tpu.yield
    }) : () -> ()
    "tpu.region"() ({
      %run_scoped3A = tpu.sem_alloc : memref<!tpu.dma_semaphore, #tpu.memory_space<semaphore_mem>>
      tpu.enqueue_dma source(%arg3 : memref<128x128xf32, #tpu.memory_space<hbm>>) target(%arg7 : memref<128x128xf32, #tpu.memory_space<vmem>>) target_semaphore(%run_scoped3A : memref<!tpu.dma_semaphore, #tpu.memory_space<semaphore_mem>>)
      tpu.wait_dma2 semaphore(%run_scoped3A : memref<!tpu.dma_semaphore, #tpu.memory_space<semaphore_mem>>) src(%arg3 : memref<128x128xf32, #tpu.memory_space<hbm>>) dst(%arg7 : memref<128x128xf32, #tpu.memory_space<vmem>>)
      tpu.yield
    }) : () -> ()
    %barrier3A = arith.constant 0 : index
    tpu.barrier barrier_id(%barrier3A)
    %mul3A_3 = arith.constant 10240 : i32
    %mul3A_4 = arith.muli %add3A, %mul3A_3 : i32
    %scan3A = arith.constant 0 : i32
    %scan3A_5 = arith.constant 0 : i32
    %scan3A_6 = arith.constant 80 : i32
    %scan3A_7 = arith.addi %scan3A_5, %scan3A_6 : i32
    %scan3A_8 = arith.constant 1 : i32
    scf.for %scan3A_18 = %scan3A_5 to %scan3A_7 step %scan3A_8  : i32 {
      %mul3A_19 = arith.constant 128 : i32
      %mul3A_20 = arith.muli %scan3A_18, %mul3A_19 : i32
      %add3A_21 = arith.addi %mul3A_4, %mul3A_20 : i32
      "tpu.region"() ({
        %run_scoped3A = tpu.sem_alloc : memref<!tpu.dma_semaphore, #tpu.memory_space<semaphore_mem>>
        %dma_start3A = tpu.memref_slice %arg2[%add3A_21] : memref<327680xi32, #tpu.memory_space<hbm>> -> memref<128xi32, #tpu.memory_space<hbm>>
        %dma_start3A_22 = tpu.memref_slice %arg2[%add3A_21] : memref<327680xi32, #tpu.memory_space<hbm>> -> memref<128xi32, #tpu.memory_space<hbm>>
        tpu.enqueue_dma source(%dma_start3A_22 : memref<128xi32, #tpu.memory_space<hbm>>) target(%arg6 : memref<128xi32, #tpu.memory_space<vmem>>) target_semaphore(%run_scoped3A : memref<!tpu.dma_semaphore, #tpu.memory_space<semaphore_mem>>)
        %dma_wait3A = tpu.memref_slice %arg2[%add3A_21] : memref<327680xi32, #tpu.memory_space<hbm>> -> memref<128xi32, #tpu.memory_space<hbm>>
        %dma_wait3A_23 = tpu.memref_slice %arg2[%add3A_21] : memref<327680xi32, #tpu.memory_space<hbm>> -> memref<128xi32, #tpu.memory_space<hbm>>
        tpu.wait_dma2 semaphore(%run_scoped3A : memref<!tpu.dma_semaphore, #tpu.memory_space<semaphore_mem>>) src(%dma_wait3A_23 : memref<128xi32, #tpu.memory_space<hbm>>) dst(%arg6 : memref<128xi32, #tpu.memory_space<vmem>>)
        tpu.yield
      }) : () -> ()
      "tpu.region"() ({
        %run_scoped3A = tpu.sem_alloc : memref<!tpu.dma_semaphore, #tpu.memory_space<semaphore_mem>>
        %dma_start3A = arith.constant 0 : i32
        %dma_start3A_22 = arith.constant 0 : i32
        %dma_start3A_23 = tpu.memref_slice %arg8[%dma_start3A, %dma_start3A_22] : memref<10240x128xf32, #tpu.memory_space<vmem_shared>> -> memref<10240x128xf32, #tpu.memory_space<vmem_shared>>
        tpu.enqueue_indirect_dma source(%arg7 : memref<128x128xf32, #tpu.memory_space<vmem>>) target(%dma_start3A_23 : memref<10240x128xf32, #tpu.memory_space<vmem_shared>>) offsets(%arg6 : memref<128xi32, #tpu.memory_space<vmem>>) semaphore(%run_scoped3A : memref<!tpu.dma_semaphore, #tpu.memory_space<semaphore_mem>>) {add = true}
        %dma_wait3A = arith.constant 0 : i32
        %dma_wait3A_24 = arith.constant 0 : i32
        %dma_wait3A_25 = tpu.memref_slice %arg8[%dma_wait3A, %dma_wait3A_24] : memref<10240x128xf32, #tpu.memory_space<vmem_shared>> -> memref<10240x128xf32, #tpu.memory_space<vmem_shared>>
        tpu.wait_indirect_dma semaphore(%run_scoped3A : memref<!tpu.dma_semaphore, #tpu.memory_space<semaphore_mem>>) src(%arg7 : memref<128x128xf32, #tpu.memory_space<vmem>>) dst(%dma_wait3A_25 : memref<10240x128xf32, #tpu.memory_space<vmem_shared>>)
        tpu.yield
      }) : () -> ()
    }
    %scan3A_9 = arith.constant 80 : i32
    %barrier3A_10 = arith.constant 0 : index
    tpu.barrier barrier_id(%barrier3A_10)
    %mul3A_11 = arith.constant 640 : i32
    %mul3A_12 = arith.muli %arg1, %mul3A_11 : i32
    %mul3A_13 = arith.constant 10240 : i32
    %mul3A_14 = arith.muli %arg0, %mul3A_13 : i32
    %mul3A_15 = arith.constant 640 : i32
    %mul3A_16 = arith.muli %arg1, %mul3A_15 : i32
    %add3A_17 = arith.addi %mul3A_14, %mul3A_16 : i32
    "tpu.region"() ({
      %run_scoped3A = tpu.sem_alloc : memref<!tpu.dma_semaphore, #tpu.memory_space<semaphore_mem>>
      %dma_start3A = arith.constant 0 : i32
      %dma_start3A_18 = tpu.memref_slice %arg5[%add3A_17, %dma_start3A] : memref<20480x128xf32, #tpu.memory_space<hbm>> -> memref<640x128xf32, #tpu.memory_space<hbm>>
      %dma_start3A_19 = arith.constant 0 : i32
      %dma_start3A_20 = tpu.memref_slice %arg8[%mul3A_12, %dma_start3A_19] : memref<10240x128xf32, #tpu.memory_space<vmem_shared>> -> memref<640x128xf32, #tpu.memory_space<vmem_shared>>
      tpu.enqueue_dma source(%dma_start3A_20 : memref<640x128xf32, #tpu.memory_space<vmem_shared>>) target(%dma_start3A_18 : memref<640x128xf32, #tpu.memory_space<hbm>>) target_semaphore(%run_scoped3A : memref<!tpu.dma_semaphore, #tpu.memory_space<semaphore_mem>>)
      %dma_wait3A = arith.constant 0 : i32
      %dma_wait3A_21 = tpu.memref_slice %arg5[%add3A_17, %dma_wait3A] : memref<20480x128xf32, #tpu.memory_space<hbm>> -> memref<640x128xf32, #tpu.memory_space<hbm>>
      %dma_wait3A_22 = arith.constant 0 : i32
      %dma_wait3A_23 = tpu.memref_slice %arg8[%mul3A_12, %dma_wait3A_22] : memref<10240x128xf32, #tpu.memory_space<vmem_shared>> -> memref<640x128xf32, #tpu.memory_space<vmem_shared>>
      tpu.wait_dma2 semaphore(%run_scoped3A : memref<!tpu.dma_semaphore, #tpu.memory_space<semaphore_mem>>) src(%dma_wait3A_23 : memref<640x128xf32, #tpu.memory_space<vmem_shared>>) dst(%dma_wait3A_21 : memref<640x128xf32, #tpu.memory_space<hbm>>)
      tpu.yield
    }) : () -> ()
    return
  }
}

#map = affine_map<(d0, d1) -> (0, 0)>
#map1 = affine_map<(d0, d1) -> (0)>
module attributes {stable_mosaic.version = 14 : i64} {
  func.func @_sc_agg_body(%arg0: i32, %arg1: i32, %arg2: memref<10000x128xf32, #tpu.memory_space<hbm>>, %arg3: memref<327680xi32, #tpu.memory_space<hbm>>, %arg4: memref<327680xi32, #tpu.memory_space<hbm>>, %arg5: memref<640x128xf32, #tpu.memory_space<hbm>>, %arg6: memref<20480x128xf32, #tpu.memory_space<hbm>>, %arg7: memref<128xi32, #tpu.memory_space<vmem>>, %arg8: memref<128xi32, #tpu.memory_space<vmem>>, %arg9: memref<128xi32, #tpu.memory_space<vmem>>, %arg10: memref<128xi32, #tpu.memory_space<vmem>>, %arg11: memref<128x128xf32, #tpu.memory_space<vmem>>, %arg12: memref<128x128xf32, #tpu.memory_space<vmem>>, %arg13: memref<10240x128xf32, #tpu.memory_space<vmem_shared>>, %arg14: memref<!tpu.dma_semaphore, #tpu.memory_space<semaphore_mem>>, %arg15: memref<!tpu.dma_semaphore, #tpu.memory_space<semaphore_mem>>, %arg16: memref<!tpu.dma_semaphore, #tpu.memory_space<semaphore_mem>>, %arg17: memref<!tpu.dma_semaphore, #tpu.memory_space<semaphore_mem>>, %arg18: memref<!tpu.dma_semaphore, #tpu.memory_space<semaphore_mem>>, %arg19: memref<!tpu.dma_semaphore, #tpu.memory_space<semaphore_mem>>) attributes {dimension_semantics = [#tpu.dimension_semantics<core_parallel>, #tpu.dimension_semantics<subcore_parallel>], iteration_bounds = array<i64: 2, 16>, scalar_prefetch = 0 : i64, scratch_operands = 13 : i64, tpu.core_type = #tpu.core_type<sc_vector_subcore>, window_params = [{transform_indices = #map}, {transform_indices = #map1}, {transform_indices = #map1}, {transform_indices = #map}, {transform_indices = #map}]} {
    %mul3A = arith.constant 2 : i32
    %mul3A_0 = arith.muli %arg1, %mul3A : i32
    %add3A = arith.addi %mul3A_0, %arg0 : i32
    %mul3A_1 = arith.constant 640 : i32
    %mul3A_2 = arith.muli %arg1, %mul3A_1 : i32
    "tpu.region"() ({
      %run_scoped3A = tpu.sem_alloc : memref<!tpu.dma_semaphore, #tpu.memory_space<semaphore_mem>>
      %dma_start3A_29 = arith.constant 0 : i32
      %dma_start3A_30 = tpu.memref_slice %arg13[%mul3A_2, %dma_start3A_29] : memref<10240x128xf32, #tpu.memory_space<vmem_shared>> -> memref<640x128xf32, #tpu.memory_space<vmem_shared>>
      tpu.enqueue_dma source(%arg5 : memref<640x128xf32, #tpu.memory_space<hbm>>) target(%dma_start3A_30 : memref<640x128xf32, #tpu.memory_space<vmem_shared>>) target_semaphore(%run_scoped3A : memref<!tpu.dma_semaphore, #tpu.memory_space<semaphore_mem>>)
      %dma_wait3A = arith.constant 0 : i32
      %dma_wait3A_31 = tpu.memref_slice %arg13[%mul3A_2, %dma_wait3A] : memref<10240x128xf32, #tpu.memory_space<vmem_shared>> -> memref<640x128xf32, #tpu.memory_space<vmem_shared>>
      tpu.wait_dma2 semaphore(%run_scoped3A : memref<!tpu.dma_semaphore, #tpu.memory_space<semaphore_mem>>) src(%arg5 : memref<640x128xf32, #tpu.memory_space<hbm>>) dst(%dma_wait3A_31 : memref<640x128xf32, #tpu.memory_space<vmem_shared>>)
      tpu.yield
    }) : () -> ()
    %barrier3A = arith.constant 0 : index
    tpu.barrier barrier_id(%barrier3A)
    %mul3A_3 = arith.constant 10240 : i32
    %mul3A_4 = arith.muli %add3A, %mul3A_3 : i32
    %add3A_5 = arith.constant 0 : i32
    %add3A_6 = arith.addi %mul3A_4, %add3A_5 : i32
    %dma_start3A = tpu.memref_slice %arg3[%add3A_6] : memref<327680xi32, #tpu.memory_space<hbm>> -> memref<128xi32, #tpu.memory_space<hbm>>
    %dma_start3A_7 = tpu.memref_slice %arg3[%add3A_6] : memref<327680xi32, #tpu.memory_space<hbm>> -> memref<128xi32, #tpu.memory_space<hbm>>
    tpu.enqueue_dma source(%dma_start3A_7 : memref<128xi32, #tpu.memory_space<hbm>>) target(%arg7 : memref<128xi32, #tpu.memory_space<vmem>>) target_semaphore(%arg14 : memref<!tpu.dma_semaphore, #tpu.memory_space<semaphore_mem>>)
    %dma_start3A_8 = tpu.memref_slice %arg4[%add3A_6] : memref<327680xi32, #tpu.memory_space<hbm>> -> memref<128xi32, #tpu.memory_space<hbm>>
    %dma_start3A_9 = tpu.memref_slice %arg4[%add3A_6] : memref<327680xi32, #tpu.memory_space<hbm>> -> memref<128xi32, #tpu.memory_space<hbm>>
    tpu.enqueue_dma source(%dma_start3A_9 : memref<128xi32, #tpu.memory_space<hbm>>) target(%arg9 : memref<128xi32, #tpu.memory_space<vmem>>) target_semaphore(%arg14 : memref<!tpu.dma_semaphore, #tpu.memory_space<semaphore_mem>>)
    %add3A_10 = arith.constant 128 : i32
    %add3A_11 = arith.addi %mul3A_4, %add3A_10 : i32
    %dma_start3A_12 = tpu.memref_slice %arg3[%add3A_11] : memref<327680xi32, #tpu.memory_space<hbm>> -> memref<128xi32, #tpu.memory_space<hbm>>
    %dma_start3A_13 = tpu.memref_slice %arg3[%add3A_11] : memref<327680xi32, #tpu.memory_space<hbm>> -> memref<128xi32, #tpu.memory_space<hbm>>
    tpu.enqueue_dma source(%dma_start3A_13 : memref<128xi32, #tpu.memory_space<hbm>>) target(%arg8 : memref<128xi32, #tpu.memory_space<vmem>>) target_semaphore(%arg15 : memref<!tpu.dma_semaphore, #tpu.memory_space<semaphore_mem>>)
    %dma_start3A_14 = tpu.memref_slice %arg4[%add3A_11] : memref<327680xi32, #tpu.memory_space<hbm>> -> memref<128xi32, #tpu.memory_space<hbm>>
    %dma_start3A_15 = tpu.memref_slice %arg4[%add3A_11] : memref<327680xi32, #tpu.memory_space<hbm>> -> memref<128xi32, #tpu.memory_space<hbm>>
    tpu.enqueue_dma source(%dma_start3A_15 : memref<128xi32, #tpu.memory_space<hbm>>) target(%arg10 : memref<128xi32, #tpu.memory_space<vmem>>) target_semaphore(%arg15 : memref<!tpu.dma_semaphore, #tpu.memory_space<semaphore_mem>>)
    %scan3A = arith.constant 0 : i32
    %scan3A_16 = arith.constant 0 : i32
    %scan3A_17 = arith.constant 40 : i32
    %scan3A_18 = arith.addi %scan3A_16, %scan3A_17 : i32
    %scan3A_19 = arith.constant 1 : i32
    scf.for %scan3A_29 = %scan3A_16 to %scan3A_18 step %scan3A_19  : i32 {
      %dma_wait3A = arith.constant 0 : i32
      %dma_wait3A_30 = tpu.memref_slice %arg3[%dma_wait3A] : memref<327680xi32, #tpu.memory_space<hbm>> -> memref<128xi32, #tpu.memory_space<hbm>>
      %dma_wait3A_31 = arith.constant 0 : i32
      %dma_wait3A_32 = tpu.memref_slice %arg3[%dma_wait3A_31] : memref<327680xi32, #tpu.memory_space<hbm>> -> memref<128xi32, #tpu.memory_space<hbm>>
      tpu.wait_dma2 semaphore(%arg14 : memref<!tpu.dma_semaphore, #tpu.memory_space<semaphore_mem>>) src(%dma_wait3A_32 : memref<128xi32, #tpu.memory_space<hbm>>) dst(%arg7 : memref<128xi32, #tpu.memory_space<vmem>>)
      %dma_wait3A_33 = arith.constant 0 : i32
      %dma_wait3A_34 = tpu.memref_slice %arg4[%dma_wait3A_33] : memref<327680xi32, #tpu.memory_space<hbm>> -> memref<128xi32, #tpu.memory_space<hbm>>
      %dma_wait3A_35 = arith.constant 0 : i32
      %dma_wait3A_36 = tpu.memref_slice %arg4[%dma_wait3A_35] : memref<327680xi32, #tpu.memory_space<hbm>> -> memref<128xi32, #tpu.memory_space<hbm>>
      tpu.wait_dma2 semaphore(%arg14 : memref<!tpu.dma_semaphore, #tpu.memory_space<semaphore_mem>>) src(%dma_wait3A_36 : memref<128xi32, #tpu.memory_space<hbm>>) dst(%arg9 : memref<128xi32, #tpu.memory_space<vmem>>)
      %dma_start3A_37 = arith.constant 0 : i32
      %dma_start3A_38 = arith.constant 0 : i32
      %dma_start3A_39 = tpu.memref_slice %arg2[%dma_start3A_37, %dma_start3A_38] : memref<10000x128xf32, #tpu.memory_space<hbm>> -> memref<10000x128xf32, #tpu.memory_space<hbm>>
      tpu.enqueue_indirect_dma source(%dma_start3A_39 : memref<10000x128xf32, #tpu.memory_space<hbm>>) target(%arg11 : memref<128x128xf32, #tpu.memory_space<vmem>>) offsets(%arg7 : memref<128xi32, #tpu.memory_space<vmem>>) semaphore(%arg16 : memref<!tpu.dma_semaphore, #tpu.memory_space<semaphore_mem>>)
      %dma_wait3A_40 = arith.constant 0 : i32
      %dma_wait3A_41 = tpu.memref_slice %arg3[%dma_wait3A_40] : memref<327680xi32, #tpu.memory_space<hbm>> -> memref<128xi32, #tpu.memory_space<hbm>>
      %dma_wait3A_42 = arith.constant 0 : i32
      %dma_wait3A_43 = tpu.memref_slice %arg3[%dma_wait3A_42] : memref<327680xi32, #tpu.memory_space<hbm>> -> memref<128xi32, #tpu.memory_space<hbm>>
      tpu.wait_dma2 semaphore(%arg15 : memref<!tpu.dma_semaphore, #tpu.memory_space<semaphore_mem>>) src(%dma_wait3A_43 : memref<128xi32, #tpu.memory_space<hbm>>) dst(%arg8 : memref<128xi32, #tpu.memory_space<vmem>>)
      %dma_wait3A_44 = arith.constant 0 : i32
      %dma_wait3A_45 = tpu.memref_slice %arg4[%dma_wait3A_44] : memref<327680xi32, #tpu.memory_space<hbm>> -> memref<128xi32, #tpu.memory_space<hbm>>
      %dma_wait3A_46 = arith.constant 0 : i32
      %dma_wait3A_47 = tpu.memref_slice %arg4[%dma_wait3A_46] : memref<327680xi32, #tpu.memory_space<hbm>> -> memref<128xi32, #tpu.memory_space<hbm>>
      tpu.wait_dma2 semaphore(%arg15 : memref<!tpu.dma_semaphore, #tpu.memory_space<semaphore_mem>>) src(%dma_wait3A_47 : memref<128xi32, #tpu.memory_space<hbm>>) dst(%arg10 : memref<128xi32, #tpu.memory_space<vmem>>)
      %dma_start3A_48 = arith.constant 0 : i32
      %dma_start3A_49 = arith.constant 0 : i32
      %dma_start3A_50 = tpu.memref_slice %arg2[%dma_start3A_48, %dma_start3A_49] : memref<10000x128xf32, #tpu.memory_space<hbm>> -> memref<10000x128xf32, #tpu.memory_space<hbm>>
      tpu.enqueue_indirect_dma source(%dma_start3A_50 : memref<10000x128xf32, #tpu.memory_space<hbm>>) target(%arg12 : memref<128x128xf32, #tpu.memory_space<vmem>>) offsets(%arg8 : memref<128xi32, #tpu.memory_space<vmem>>) semaphore(%arg17 : memref<!tpu.dma_semaphore, #tpu.memory_space<semaphore_mem>>)
      %dma_wait3A_51 = arith.constant 0 : i32
      %dma_wait3A_52 = arith.constant 0 : i32
      %dma_wait3A_53 = tpu.memref_slice %arg2[%dma_wait3A_51, %dma_wait3A_52] : memref<10000x128xf32, #tpu.memory_space<hbm>> -> memref<10000x128xf32, #tpu.memory_space<hbm>>
      tpu.wait_indirect_dma semaphore(%arg16 : memref<!tpu.dma_semaphore, #tpu.memory_space<semaphore_mem>>) src(%dma_wait3A_53 : memref<10000x128xf32, #tpu.memory_space<hbm>>) dst(%arg11 : memref<128x128xf32, #tpu.memory_space<vmem>>)
      %dma_start3A_54 = arith.constant 0 : i32
      %dma_start3A_55 = arith.constant 0 : i32
      %dma_start3A_56 = tpu.memref_slice %arg13[%dma_start3A_54, %dma_start3A_55] : memref<10240x128xf32, #tpu.memory_space<vmem_shared>> -> memref<10240x128xf32, #tpu.memory_space<vmem_shared>>
      tpu.enqueue_indirect_dma source(%arg11 : memref<128x128xf32, #tpu.memory_space<vmem>>) target(%dma_start3A_56 : memref<10240x128xf32, #tpu.memory_space<vmem_shared>>) offsets(%arg9 : memref<128xi32, #tpu.memory_space<vmem>>) semaphore(%arg18 : memref<!tpu.dma_semaphore, #tpu.memory_space<semaphore_mem>>) {add = true}
      %dma_wait3A_57 = arith.constant 0 : i32
      %dma_wait3A_58 = arith.constant 0 : i32
      %dma_wait3A_59 = tpu.memref_slice %arg2[%dma_wait3A_57, %dma_wait3A_58] : memref<10000x128xf32, #tpu.memory_space<hbm>> -> memref<10000x128xf32, #tpu.memory_space<hbm>>
      tpu.wait_indirect_dma semaphore(%arg17 : memref<!tpu.dma_semaphore, #tpu.memory_space<semaphore_mem>>) src(%dma_wait3A_59 : memref<10000x128xf32, #tpu.memory_space<hbm>>) dst(%arg12 : memref<128x128xf32, #tpu.memory_space<vmem>>)
      %dma_start3A_60 = arith.constant 0 : i32
      %dma_start3A_61 = arith.constant 0 : i32
      %dma_start3A_62 = tpu.memref_slice %arg13[%dma_start3A_60, %dma_start3A_61] : memref<10240x128xf32, #tpu.memory_space<vmem_shared>> -> memref<10240x128xf32, #tpu.memory_space<vmem_shared>>
      tpu.enqueue_indirect_dma source(%arg12 : memref<128x128xf32, #tpu.memory_space<vmem>>) target(%dma_start3A_62 : memref<10240x128xf32, #tpu.memory_space<vmem_shared>>) offsets(%arg10 : memref<128xi32, #tpu.memory_space<vmem>>) semaphore(%arg19 : memref<!tpu.dma_semaphore, #tpu.memory_space<semaphore_mem>>) {add = true}
      %dma_wait3A_63 = arith.constant 0 : i32
      %dma_wait3A_64 = arith.constant 0 : i32
      %dma_wait3A_65 = tpu.memref_slice %arg13[%dma_wait3A_63, %dma_wait3A_64] : memref<10240x128xf32, #tpu.memory_space<vmem_shared>> -> memref<10240x128xf32, #tpu.memory_space<vmem_shared>>
      tpu.wait_indirect_dma semaphore(%arg18 : memref<!tpu.dma_semaphore, #tpu.memory_space<semaphore_mem>>) src(%arg11 : memref<128x128xf32, #tpu.memory_space<vmem>>) dst(%dma_wait3A_65 : memref<10240x128xf32, #tpu.memory_space<vmem_shared>>)
      %dma_wait3A_66 = arith.constant 0 : i32
      %dma_wait3A_67 = arith.constant 0 : i32
      %dma_wait3A_68 = tpu.memref_slice %arg13[%dma_wait3A_66, %dma_wait3A_67] : memref<10240x128xf32, #tpu.memory_space<vmem_shared>> -> memref<10240x128xf32, #tpu.memory_space<vmem_shared>>
      tpu.wait_indirect_dma semaphore(%arg19 : memref<!tpu.dma_semaphore, #tpu.memory_space<semaphore_mem>>) src(%arg12 : memref<128x128xf32, #tpu.memory_space<vmem>>) dst(%dma_wait3A_68 : memref<10240x128xf32, #tpu.memory_space<vmem_shared>>)
      %lt3A = arith.constant 39 : i32
      %lt3A_69 = arith.cmpi slt, %scan3A_29, %lt3A : i32
      %convert_element_type3A = arith.extui %lt3A_69 : i1 to i32
      %cond3A = arith.constant 0 : i32
      %cond3A_70 = arith.cmpi ne, %convert_element_type3A, %cond3A : i32
      scf.if %cond3A_70 {
        %mul3A_71 = arith.constant 2 : i32
        %mul3A_72 = arith.muli %mul3A_71, %scan3A_29 : i32
        %add3A_73 = arith.constant 2 : i32
        %add3A_74 = arith.addi %mul3A_72, %add3A_73 : i32
        %mul3A_75 = arith.constant 128 : i32
        %mul3A_76 = arith.muli %add3A_74, %mul3A_75 : i32
        %add3A_77 = arith.addi %mul3A_4, %mul3A_76 : i32
        %dma_start3A_78 = tpu.memref_slice %arg3[%add3A_77] : memref<327680xi32, #tpu.memory_space<hbm>> -> memref<128xi32, #tpu.memory_space<hbm>>
        %dma_start3A_79 = tpu.memref_slice %arg3[%add3A_77] : memref<327680xi32, #tpu.memory_space<hbm>> -> memref<128xi32, #tpu.memory_space<hbm>>
        tpu.enqueue_dma source(%dma_start3A_79 : memref<128xi32, #tpu.memory_space<hbm>>) target(%arg7 : memref<128xi32, #tpu.memory_space<vmem>>) target_semaphore(%arg14 : memref<!tpu.dma_semaphore, #tpu.memory_space<semaphore_mem>>)
        %dma_start3A_80 = tpu.memref_slice %arg4[%add3A_77] : memref<327680xi32, #tpu.memory_space<hbm>> -> memref<128xi32, #tpu.memory_space<hbm>>
        %dma_start3A_81 = tpu.memref_slice %arg4[%add3A_77] : memref<327680xi32, #tpu.memory_space<hbm>> -> memref<128xi32, #tpu.memory_space<hbm>>
        tpu.enqueue_dma source(%dma_start3A_81 : memref<128xi32, #tpu.memory_space<hbm>>) target(%arg9 : memref<128xi32, #tpu.memory_space<vmem>>) target_semaphore(%arg14 : memref<!tpu.dma_semaphore, #tpu.memory_space<semaphore_mem>>)
        %mul3A_82 = arith.constant 2 : i32
        %mul3A_83 = arith.muli %mul3A_82, %scan3A_29 : i32
        %add3A_84 = arith.constant 3 : i32
        %add3A_85 = arith.addi %mul3A_83, %add3A_84 : i32
        %mul3A_86 = arith.constant 128 : i32
        %mul3A_87 = arith.muli %add3A_85, %mul3A_86 : i32
        %add3A_88 = arith.addi %mul3A_4, %mul3A_87 : i32
        %dma_start3A_89 = tpu.memref_slice %arg3[%add3A_88] : memref<327680xi32, #tpu.memory_space<hbm>> -> memref<128xi32, #tpu.memory_space<hbm>>
        %dma_start3A_90 = tpu.memref_slice %arg3[%add3A_88] : memref<327680xi32, #tpu.memory_space<hbm>> -> memref<128xi32, #tpu.memory_space<hbm>>
        tpu.enqueue_dma source(%dma_start3A_90 : memref<128xi32, #tpu.memory_space<hbm>>) target(%arg8 : memref<128xi32, #tpu.memory_space<vmem>>) target_semaphore(%arg15 : memref<!tpu.dma_semaphore, #tpu.memory_space<semaphore_mem>>)
        %dma_start3A_91 = tpu.memref_slice %arg4[%add3A_88] : memref<327680xi32, #tpu.memory_space<hbm>> -> memref<128xi32, #tpu.memory_space<hbm>>
        %dma_start3A_92 = tpu.memref_slice %arg4[%add3A_88] : memref<327680xi32, #tpu.memory_space<hbm>> -> memref<128xi32, #tpu.memory_space<hbm>>
        tpu.enqueue_dma source(%dma_start3A_92 : memref<128xi32, #tpu.memory_space<hbm>>) target(%arg10 : memref<128xi32, #tpu.memory_space<vmem>>) target_semaphore(%arg15 : memref<!tpu.dma_semaphore, #tpu.memory_space<semaphore_mem>>)
      } else {
      }
    }
    %scan3A_20 = arith.constant 40 : i32
    %barrier3A_21 = arith.constant 0 : index
    tpu.barrier barrier_id(%barrier3A_21)
    %mul3A_22 = arith.constant 640 : i32
    %mul3A_23 = arith.muli %arg1, %mul3A_22 : i32
    %mul3A_24 = arith.constant 10240 : i32
    %mul3A_25 = arith.muli %arg0, %mul3A_24 : i32
    %mul3A_26 = arith.constant 640 : i32
    %mul3A_27 = arith.muli %arg1, %mul3A_26 : i32
    %add3A_28 = arith.addi %mul3A_25, %mul3A_27 : i32
    "tpu.region"() ({
      %run_scoped3A = tpu.sem_alloc : memref<!tpu.dma_semaphore, #tpu.memory_space<semaphore_mem>>
      %dma_start3A_29 = arith.constant 0 : i32
      %dma_start3A_30 = tpu.memref_slice %arg6[%add3A_28, %dma_start3A_29] : memref<20480x128xf32, #tpu.memory_space<hbm>> -> memref<640x128xf32, #tpu.memory_space<hbm>>
      %dma_start3A_31 = arith.constant 0 : i32
      %dma_start3A_32 = tpu.memref_slice %arg13[%mul3A_23, %dma_start3A_31] : memref<10240x128xf32, #tpu.memory_space<vmem_shared>> -> memref<640x128xf32, #tpu.memory_space<vmem_shared>>
      tpu.enqueue_dma source(%dma_start3A_32 : memref<640x128xf32, #tpu.memory_space<vmem_shared>>) target(%dma_start3A_30 : memref<640x128xf32, #tpu.memory_space<hbm>>) target_semaphore(%run_scoped3A : memref<!tpu.dma_semaphore, #tpu.memory_space<semaphore_mem>>)
      %dma_wait3A = arith.constant 0 : i32
      %dma_wait3A_33 = tpu.memref_slice %arg6[%add3A_28, %dma_wait3A] : memref<20480x128xf32, #tpu.memory_space<hbm>> -> memref<640x128xf32, #tpu.memory_space<hbm>>
      %dma_wait3A_34 = arith.constant 0 : i32
      %dma_wait3A_35 = tpu.memref_slice %arg13[%mul3A_23, %dma_wait3A_34] : memref<10240x128xf32, #tpu.memory_space<vmem_shared>> -> memref<640x128xf32, #tpu.memory_space<vmem_shared>>
      tpu.wait_dma2 semaphore(%run_scoped3A : memref<!tpu.dma_semaphore, #tpu.memory_space<semaphore_mem>>) src(%dma_wait3A_35 : memref<640x128xf32, #tpu.memory_space<vmem_shared>>) dst(%dma_wait3A_33 : memref<640x128xf32, #tpu.memory_space<hbm>>)
      tpu.yield
    }) : () -> ()
    return
  }
}

#map = affine_map<(d0, d1) -> (0, 0)>
#map1 = affine_map<(d0, d1) -> (0)>
module attributes {stable_mosaic.version = 14 : i64} {
  func.func @_sc_agg_body(%arg0: i32, %arg1: i32, %arg2: memref<10000x128xf32, #tpu.memory_space<hbm>>, %arg3: memref<327680xi32, #tpu.memory_space<hbm>>, %arg4: memref<327680xi32, #tpu.memory_space<hbm>>, %arg5: memref<640x128xf32, #tpu.memory_space<hbm>>, %arg6: memref<20480x128xf32, #tpu.memory_space<hbm>>, %arg7: memref<128xi32, #tpu.memory_space<vmem>>, %arg8: memref<128xi32, #tpu.memory_space<vmem>>, %arg9: memref<128xi32, #tpu.memory_space<vmem>>, %arg10: memref<128xi32, #tpu.memory_space<vmem>>, %arg11: memref<128x128xf32, #tpu.memory_space<vmem>>, %arg12: memref<128x128xf32, #tpu.memory_space<vmem>>, %arg13: memref<10240x128xf32, #tpu.memory_space<vmem_shared>>, %arg14: memref<!tpu.dma_semaphore, #tpu.memory_space<semaphore_mem>>, %arg15: memref<!tpu.dma_semaphore, #tpu.memory_space<semaphore_mem>>, %arg16: memref<!tpu.dma_semaphore, #tpu.memory_space<semaphore_mem>>, %arg17: memref<!tpu.dma_semaphore, #tpu.memory_space<semaphore_mem>>, %arg18: memref<!tpu.dma_semaphore, #tpu.memory_space<semaphore_mem>>, %arg19: memref<!tpu.dma_semaphore, #tpu.memory_space<semaphore_mem>>) attributes {dimension_semantics = [#tpu.dimension_semantics<core_parallel>, #tpu.dimension_semantics<subcore_parallel>], iteration_bounds = array<i64: 2, 16>, scalar_prefetch = 0 : i64, scratch_operands = 13 : i64, tpu.core_type = #tpu.core_type<sc_vector_subcore>, window_params = [{transform_indices = #map}, {transform_indices = #map1}, {transform_indices = #map1}, {transform_indices = #map}, {transform_indices = #map}]} {
    %mul3A = arith.constant 2 : i32
    %mul3A_0 = arith.muli %arg1, %mul3A : i32
    %add3A = arith.addi %mul3A_0, %arg0 : i32
    %mul3A_1 = arith.constant 640 : i32
    %mul3A_2 = arith.muli %arg1, %mul3A_1 : i32
    "tpu.region"() ({
      %run_scoped3A = tpu.sem_alloc : memref<!tpu.dma_semaphore, #tpu.memory_space<semaphore_mem>>
      %dma_start3A_29 = arith.constant 0 : i32
      %dma_start3A_30 = tpu.memref_slice %arg13[%mul3A_2, %dma_start3A_29] : memref<10240x128xf32, #tpu.memory_space<vmem_shared>> -> memref<640x128xf32, #tpu.memory_space<vmem_shared>>
      tpu.enqueue_dma source(%arg5 : memref<640x128xf32, #tpu.memory_space<hbm>>) target(%dma_start3A_30 : memref<640x128xf32, #tpu.memory_space<vmem_shared>>) target_semaphore(%run_scoped3A : memref<!tpu.dma_semaphore, #tpu.memory_space<semaphore_mem>>)
      %dma_wait3A = arith.constant 0 : i32
      %dma_wait3A_31 = tpu.memref_slice %arg13[%mul3A_2, %dma_wait3A] : memref<10240x128xf32, #tpu.memory_space<vmem_shared>> -> memref<640x128xf32, #tpu.memory_space<vmem_shared>>
      tpu.wait_dma2 semaphore(%run_scoped3A : memref<!tpu.dma_semaphore, #tpu.memory_space<semaphore_mem>>) src(%arg5 : memref<640x128xf32, #tpu.memory_space<hbm>>) dst(%dma_wait3A_31 : memref<640x128xf32, #tpu.memory_space<vmem_shared>>)
      tpu.yield
    }) : () -> ()
    %barrier3A = arith.constant 0 : index
    tpu.barrier barrier_id(%barrier3A)
    %mul3A_3 = arith.constant 10240 : i32
    %mul3A_4 = arith.muli %add3A, %mul3A_3 : i32
    %add3A_5 = arith.constant 0 : i32
    %add3A_6 = arith.addi %mul3A_4, %add3A_5 : i32
    %dma_start3A = tpu.memref_slice %arg3[%add3A_6] : memref<327680xi32, #tpu.memory_space<hbm>> -> memref<128xi32, #tpu.memory_space<hbm>>
    %dma_start3A_7 = tpu.memref_slice %arg3[%add3A_6] : memref<327680xi32, #tpu.memory_space<hbm>> -> memref<128xi32, #tpu.memory_space<hbm>>
    tpu.enqueue_dma source(%dma_start3A_7 : memref<128xi32, #tpu.memory_space<hbm>>) target(%arg7 : memref<128xi32, #tpu.memory_space<vmem>>) target_semaphore(%arg14 : memref<!tpu.dma_semaphore, #tpu.memory_space<semaphore_mem>>)
    %dma_start3A_8 = tpu.memref_slice %arg4[%add3A_6] : memref<327680xi32, #tpu.memory_space<hbm>> -> memref<128xi32, #tpu.memory_space<hbm>>
    %dma_start3A_9 = tpu.memref_slice %arg4[%add3A_6] : memref<327680xi32, #tpu.memory_space<hbm>> -> memref<128xi32, #tpu.memory_space<hbm>>
    tpu.enqueue_dma source(%dma_start3A_9 : memref<128xi32, #tpu.memory_space<hbm>>) target(%arg9 : memref<128xi32, #tpu.memory_space<vmem>>) target_semaphore(%arg14 : memref<!tpu.dma_semaphore, #tpu.memory_space<semaphore_mem>>)
    %add3A_10 = arith.constant 128 : i32
    %add3A_11 = arith.addi %mul3A_4, %add3A_10 : i32
    %dma_start3A_12 = tpu.memref_slice %arg3[%add3A_11] : memref<327680xi32, #tpu.memory_space<hbm>> -> memref<128xi32, #tpu.memory_space<hbm>>
    %dma_start3A_13 = tpu.memref_slice %arg3[%add3A_11] : memref<327680xi32, #tpu.memory_space<hbm>> -> memref<128xi32, #tpu.memory_space<hbm>>
    tpu.enqueue_dma source(%dma_start3A_13 : memref<128xi32, #tpu.memory_space<hbm>>) target(%arg8 : memref<128xi32, #tpu.memory_space<vmem>>) target_semaphore(%arg15 : memref<!tpu.dma_semaphore, #tpu.memory_space<semaphore_mem>>)
    %dma_start3A_14 = tpu.memref_slice %arg4[%add3A_11] : memref<327680xi32, #tpu.memory_space<hbm>> -> memref<128xi32, #tpu.memory_space<hbm>>
    %dma_start3A_15 = tpu.memref_slice %arg4[%add3A_11] : memref<327680xi32, #tpu.memory_space<hbm>> -> memref<128xi32, #tpu.memory_space<hbm>>
    tpu.enqueue_dma source(%dma_start3A_15 : memref<128xi32, #tpu.memory_space<hbm>>) target(%arg10 : memref<128xi32, #tpu.memory_space<vmem>>) target_semaphore(%arg15 : memref<!tpu.dma_semaphore, #tpu.memory_space<semaphore_mem>>)
    %scan3A = arith.constant 0 : i32
    %scan3A_16 = arith.constant 0 : i32
    %scan3A_17 = arith.constant 40 : i32
    %scan3A_18 = arith.addi %scan3A_16, %scan3A_17 : i32
    %scan3A_19 = arith.constant 1 : i32
    scf.for %scan3A_29 = %scan3A_16 to %scan3A_18 step %scan3A_19  : i32 {
      %dma_wait3A = arith.constant 0 : i32
      %dma_wait3A_30 = tpu.memref_slice %arg3[%dma_wait3A] : memref<327680xi32, #tpu.memory_space<hbm>> -> memref<128xi32, #tpu.memory_space<hbm>>
      %dma_wait3A_31 = arith.constant 0 : i32
      %dma_wait3A_32 = tpu.memref_slice %arg3[%dma_wait3A_31] : memref<327680xi32, #tpu.memory_space<hbm>> -> memref<128xi32, #tpu.memory_space<hbm>>
      tpu.wait_dma2 semaphore(%arg14 : memref<!tpu.dma_semaphore, #tpu.memory_space<semaphore_mem>>) src(%dma_wait3A_32 : memref<128xi32, #tpu.memory_space<hbm>>) dst(%arg7 : memref<128xi32, #tpu.memory_space<vmem>>)
      %dma_wait3A_33 = arith.constant 0 : i32
      %dma_wait3A_34 = tpu.memref_slice %arg4[%dma_wait3A_33] : memref<327680xi32, #tpu.memory_space<hbm>> -> memref<128xi32, #tpu.memory_space<hbm>>
      %dma_wait3A_35 = arith.constant 0 : i32
      %dma_wait3A_36 = tpu.memref_slice %arg4[%dma_wait3A_35] : memref<327680xi32, #tpu.memory_space<hbm>> -> memref<128xi32, #tpu.memory_space<hbm>>
      tpu.wait_dma2 semaphore(%arg14 : memref<!tpu.dma_semaphore, #tpu.memory_space<semaphore_mem>>) src(%dma_wait3A_36 : memref<128xi32, #tpu.memory_space<hbm>>) dst(%arg9 : memref<128xi32, #tpu.memory_space<vmem>>)
      %dma_start3A_37 = arith.constant 0 : i32
      %dma_start3A_38 = arith.constant 0 : i32
      %dma_start3A_39 = tpu.memref_slice %arg2[%dma_start3A_37, %dma_start3A_38] : memref<10000x128xf32, #tpu.memory_space<hbm>> -> memref<10000x128xf32, #tpu.memory_space<hbm>>
      tpu.enqueue_indirect_dma source(%dma_start3A_39 : memref<10000x128xf32, #tpu.memory_space<hbm>>) target(%arg11 : memref<128x128xf32, #tpu.memory_space<vmem>>) offsets(%arg7 : memref<128xi32, #tpu.memory_space<vmem>>) semaphore(%arg16 : memref<!tpu.dma_semaphore, #tpu.memory_space<semaphore_mem>>)
      %dma_wait3A_40 = arith.constant 0 : i32
      %dma_wait3A_41 = tpu.memref_slice %arg3[%dma_wait3A_40] : memref<327680xi32, #tpu.memory_space<hbm>> -> memref<128xi32, #tpu.memory_space<hbm>>
      %dma_wait3A_42 = arith.constant 0 : i32
      %dma_wait3A_43 = tpu.memref_slice %arg3[%dma_wait3A_42] : memref<327680xi32, #tpu.memory_space<hbm>> -> memref<128xi32, #tpu.memory_space<hbm>>
      tpu.wait_dma2 semaphore(%arg15 : memref<!tpu.dma_semaphore, #tpu.memory_space<semaphore_mem>>) src(%dma_wait3A_43 : memref<128xi32, #tpu.memory_space<hbm>>) dst(%arg8 : memref<128xi32, #tpu.memory_space<vmem>>)
      %dma_wait3A_44 = arith.constant 0 : i32
      %dma_wait3A_45 = tpu.memref_slice %arg4[%dma_wait3A_44] : memref<327680xi32, #tpu.memory_space<hbm>> -> memref<128xi32, #tpu.memory_space<hbm>>
      %dma_wait3A_46 = arith.constant 0 : i32
      %dma_wait3A_47 = tpu.memref_slice %arg4[%dma_wait3A_46] : memref<327680xi32, #tpu.memory_space<hbm>> -> memref<128xi32, #tpu.memory_space<hbm>>
      tpu.wait_dma2 semaphore(%arg15 : memref<!tpu.dma_semaphore, #tpu.memory_space<semaphore_mem>>) src(%dma_wait3A_47 : memref<128xi32, #tpu.memory_space<hbm>>) dst(%arg10 : memref<128xi32, #tpu.memory_space<vmem>>)
      %dma_start3A_48 = arith.constant 0 : i32
      %dma_start3A_49 = arith.constant 0 : i32
      %dma_start3A_50 = tpu.memref_slice %arg2[%dma_start3A_48, %dma_start3A_49] : memref<10000x128xf32, #tpu.memory_space<hbm>> -> memref<10000x128xf32, #tpu.memory_space<hbm>>
      tpu.enqueue_indirect_dma source(%dma_start3A_50 : memref<10000x128xf32, #tpu.memory_space<hbm>>) target(%arg12 : memref<128x128xf32, #tpu.memory_space<vmem>>) offsets(%arg8 : memref<128xi32, #tpu.memory_space<vmem>>) semaphore(%arg17 : memref<!tpu.dma_semaphore, #tpu.memory_space<semaphore_mem>>)
      %dma_wait3A_51 = arith.constant 0 : i32
      %dma_wait3A_52 = arith.constant 0 : i32
      %dma_wait3A_53 = tpu.memref_slice %arg2[%dma_wait3A_51, %dma_wait3A_52] : memref<10000x128xf32, #tpu.memory_space<hbm>> -> memref<10000x128xf32, #tpu.memory_space<hbm>>
      tpu.wait_indirect_dma semaphore(%arg16 : memref<!tpu.dma_semaphore, #tpu.memory_space<semaphore_mem>>) src(%dma_wait3A_53 : memref<10000x128xf32, #tpu.memory_space<hbm>>) dst(%arg11 : memref<128x128xf32, #tpu.memory_space<vmem>>)
      %dma_start3A_54 = arith.constant 0 : i32
      %dma_start3A_55 = arith.constant 0 : i32
      %dma_start3A_56 = tpu.memref_slice %arg13[%dma_start3A_54, %dma_start3A_55] : memref<10240x128xf32, #tpu.memory_space<vmem_shared>> -> memref<10240x128xf32, #tpu.memory_space<vmem_shared>>
      tpu.enqueue_indirect_dma source(%arg11 : memref<128x128xf32, #tpu.memory_space<vmem>>) target(%dma_start3A_56 : memref<10240x128xf32, #tpu.memory_space<vmem_shared>>) offsets(%arg9 : memref<128xi32, #tpu.memory_space<vmem>>) semaphore(%arg18 : memref<!tpu.dma_semaphore, #tpu.memory_space<semaphore_mem>>) {add = true}
      %dma_wait3A_57 = arith.constant 0 : i32
      %dma_wait3A_58 = arith.constant 0 : i32
      %dma_wait3A_59 = tpu.memref_slice %arg2[%dma_wait3A_57, %dma_wait3A_58] : memref<10000x128xf32, #tpu.memory_space<hbm>> -> memref<10000x128xf32, #tpu.memory_space<hbm>>
      tpu.wait_indirect_dma semaphore(%arg17 : memref<!tpu.dma_semaphore, #tpu.memory_space<semaphore_mem>>) src(%dma_wait3A_59 : memref<10000x128xf32, #tpu.memory_space<hbm>>) dst(%arg12 : memref<128x128xf32, #tpu.memory_space<vmem>>)
      %dma_start3A_60 = arith.constant 0 : i32
      %dma_start3A_61 = arith.constant 0 : i32
      %dma_start3A_62 = tpu.memref_slice %arg13[%dma_start3A_60, %dma_start3A_61] : memref<10240x128xf32, #tpu.memory_space<vmem_shared>> -> memref<10240x128xf32, #tpu.memory_space<vmem_shared>>
      tpu.enqueue_indirect_dma source(%arg12 : memref<128x128xf32, #tpu.memory_space<vmem>>) target(%dma_start3A_62 : memref<10240x128xf32, #tpu.memory_space<vmem_shared>>) offsets(%arg10 : memref<128xi32, #tpu.memory_space<vmem>>) semaphore(%arg19 : memref<!tpu.dma_semaphore, #tpu.memory_space<semaphore_mem>>) {add = true}
      %dma_wait3A_63 = arith.constant 0 : i32
      %dma_wait3A_64 = arith.constant 0 : i32
      %dma_wait3A_65 = tpu.memref_slice %arg13[%dma_wait3A_63, %dma_wait3A_64] : memref<10240x128xf32, #tpu.memory_space<vmem_shared>> -> memref<10240x128xf32, #tpu.memory_space<vmem_shared>>
      tpu.wait_indirect_dma semaphore(%arg18 : memref<!tpu.dma_semaphore, #tpu.memory_space<semaphore_mem>>) src(%arg11 : memref<128x128xf32, #tpu.memory_space<vmem>>) dst(%dma_wait3A_65 : memref<10240x128xf32, #tpu.memory_space<vmem_shared>>)
      %dma_wait3A_66 = arith.constant 0 : i32
      %dma_wait3A_67 = arith.constant 0 : i32
      %dma_wait3A_68 = tpu.memref_slice %arg13[%dma_wait3A_66, %dma_wait3A_67] : memref<10240x128xf32, #tpu.memory_space<vmem_shared>> -> memref<10240x128xf32, #tpu.memory_space<vmem_shared>>
      tpu.wait_indirect_dma semaphore(%arg19 : memref<!tpu.dma_semaphore, #tpu.memory_space<semaphore_mem>>) src(%arg12 : memref<128x128xf32, #tpu.memory_space<vmem>>) dst(%dma_wait3A_68 : memref<10240x128xf32, #tpu.memory_space<vmem_shared>>)
      %lt3A = arith.constant 39 : i32
      %lt3A_69 = arith.cmpi slt, %scan3A_29, %lt3A : i32
      %convert_element_type3A = arith.extui %lt3A_69 : i1 to i32
      %cond3A = arith.constant 0 : i32
      %cond3A_70 = arith.cmpi ne, %convert_element_type3A, %cond3A : i32
      scf.if %cond3A_70 {
        %mul3A_71 = arith.constant 2 : i32
        %mul3A_72 = arith.muli %mul3A_71, %scan3A_29 : i32
        %add3A_73 = arith.constant 2 : i32
        %add3A_74 = arith.addi %mul3A_72, %add3A_73 : i32
        %mul3A_75 = arith.constant 128 : i32
        %mul3A_76 = arith.muli %add3A_74, %mul3A_75 : i32
        %add3A_77 = arith.addi %mul3A_4, %mul3A_76 : i32
        %dma_start3A_78 = tpu.memref_slice %arg3[%add3A_77] : memref<327680xi32, #tpu.memory_space<hbm>> -> memref<128xi32, #tpu.memory_space<hbm>>
        %dma_start3A_79 = tpu.memref_slice %arg3[%add3A_77] : memref<327680xi32, #tpu.memory_space<hbm>> -> memref<128xi32, #tpu.memory_space<hbm>>
        tpu.enqueue_dma source(%dma_start3A_79 : memref<128xi32, #tpu.memory_space<hbm>>) target(%arg7 : memref<128xi32, #tpu.memory_space<vmem>>) target_semaphore(%arg14 : memref<!tpu.dma_semaphore, #tpu.memory_space<semaphore_mem>>)
        %dma_start3A_80 = tpu.memref_slice %arg4[%add3A_77] : memref<327680xi32, #tpu.memory_space<hbm>> -> memref<128xi32, #tpu.memory_space<hbm>>
        %dma_start3A_81 = tpu.memref_slice %arg4[%add3A_77] : memref<327680xi32, #tpu.memory_space<hbm>> -> memref<128xi32, #tpu.memory_space<hbm>>
        tpu.enqueue_dma source(%dma_start3A_81 : memref<128xi32, #tpu.memory_space<hbm>>) target(%arg9 : memref<128xi32, #tpu.memory_space<vmem>>) target_semaphore(%arg14 : memref<!tpu.dma_semaphore, #tpu.memory_space<semaphore_mem>>)
        %mul3A_82 = arith.constant 2 : i32
        %mul3A_83 = arith.muli %mul3A_82, %scan3A_29 : i32
        %add3A_84 = arith.constant 3 : i32
        %add3A_85 = arith.addi %mul3A_83, %add3A_84 : i32
        %mul3A_86 = arith.constant 128 : i32
        %mul3A_87 = arith.muli %add3A_85, %mul3A_86 : i32
        %add3A_88 = arith.addi %mul3A_4, %mul3A_87 : i32
        %dma_start3A_89 = tpu.memref_slice %arg3[%add3A_88] : memref<327680xi32, #tpu.memory_space<hbm>> -> memref<128xi32, #tpu.memory_space<hbm>>
        %dma_start3A_90 = tpu.memref_slice %arg3[%add3A_88] : memref<327680xi32, #tpu.memory_space<hbm>> -> memref<128xi32, #tpu.memory_space<hbm>>
        tpu.enqueue_dma source(%dma_start3A_90 : memref<128xi32, #tpu.memory_space<hbm>>) target(%arg8 : memref<128xi32, #tpu.memory_space<vmem>>) target_semaphore(%arg15 : memref<!tpu.dma_semaphore, #tpu.memory_space<semaphore_mem>>)
        %dma_start3A_91 = tpu.memref_slice %arg4[%add3A_88] : memref<327680xi32, #tpu.memory_space<hbm>> -> memref<128xi32, #tpu.memory_space<hbm>>
        %dma_start3A_92 = tpu.memref_slice %arg4[%add3A_88] : memref<327680xi32, #tpu.memory_space<hbm>> -> memref<128xi32, #tpu.memory_space<hbm>>
        tpu.enqueue_dma source(%dma_start3A_92 : memref<128xi32, #tpu.memory_space<hbm>>) target(%arg10 : memref<128xi32, #tpu.memory_space<vmem>>) target_semaphore(%arg15 : memref<!tpu.dma_semaphore, #tpu.memory_space<semaphore_mem>>)
      } else {
      }
    }
    %scan3A_20 = arith.constant 40 : i32
    %barrier3A_21 = arith.constant 0 : index
    tpu.barrier barrier_id(%barrier3A_21)
    %mul3A_22 = arith.constant 640 : i32
    %mul3A_23 = arith.muli %arg1, %mul3A_22 : i32
    %mul3A_24 = arith.constant 10240 : i32
    %mul3A_25 = arith.muli %arg0, %mul3A_24 : i32
    %mul3A_26 = arith.constant 640 : i32
    %mul3A_27 = arith.muli %arg1, %mul3A_26 : i32
    %add3A_28 = arith.addi %mul3A_25, %mul3A_27 : i32
    "tpu.region"() ({
      %run_scoped3A = tpu.sem_alloc : memref<!tpu.dma_semaphore, #tpu.memory_space<semaphore_mem>>
      %dma_start3A_29 = arith.constant 0 : i32
      %dma_start3A_30 = tpu.memref_slice %arg6[%add3A_28, %dma_start3A_29] : memref<20480x128xf32, #tpu.memory_space<hbm>> -> memref<640x128xf32, #tpu.memory_space<hbm>>
      %dma_start3A_31 = arith.constant 0 : i32
      %dma_start3A_32 = tpu.memref_slice %arg13[%mul3A_23, %dma_start3A_31] : memref<10240x128xf32, #tpu.memory_space<vmem_shared>> -> memref<640x128xf32, #tpu.memory_space<vmem_shared>>
      tpu.enqueue_dma source(%dma_start3A_32 : memref<640x128xf32, #tpu.memory_space<vmem_shared>>) target(%dma_start3A_30 : memref<640x128xf32, #tpu.memory_space<hbm>>) target_semaphore(%run_scoped3A : memref<!tpu.dma_semaphore, #tpu.memory_space<semaphore_mem>>)
      %dma_wait3A = arith.constant 0 : i32
      %dma_wait3A_33 = tpu.memref_slice %arg6[%add3A_28, %dma_wait3A] : memref<20480x128xf32, #tpu.memory_space<hbm>> -> memref<640x128xf32, #tpu.memory_space<hbm>>
      %dma_wait3A_34 = arith.constant 0 : i32
      %dma_wait3A_35 = tpu.memref_slice %arg13[%mul3A_23, %dma_wait3A_34] : memref<10240x128xf32, #tpu.memory_space<vmem_shared>> -> memref<640x128xf32, #tpu.memory_space<vmem_shared>>
      tpu.wait_dma2 semaphore(%run_scoped3A : memref<!tpu.dma_semaphore, #tpu.memory_space<semaphore_mem>>) src(%dma_wait3A_35 : memref<640x128xf32, #tpu.memory_space<vmem_shared>>) dst(%dma_wait3A_33 : memref<640x128xf32, #tpu.memory_space<hbm>>)
      tpu.yield
    }) : () -> ()
    return
  }
}

module attributes {stable_mosaic.version = 14 : i64} {
  func.func @_mm_prescale_body(%arg0: i32, %arg1: memref<1000x128xf32, #tpu.memory_space<vmem>>, %arg2: memref<128x128xf32, #tpu.memory_space<vmem>>, %arg3: memref<2x1000x128xf32, #tpu.memory_space<vmem>>, %arg4: memref<1000x128xf32, #tpu.memory_space<vmem>>) attributes {dimension_semantics = [#tpu.dimension_semantics<arbitrary>], iteration_bounds = array<i64: 10>, scalar_prefetch = 0 : i64, scratch_operands = 0 : i64, tpu.core_type = #tpu.core_type<tc>, window_params = [{transform_indices = @transform_0, window_bounds = array<i64: 1000, 128>}, {pipeline_mode = #tpu.pipeline_mode<synchronous>, transform_indices = @transform_1, window_bounds = array<i64: 128, 128>}, {transform_indices = @transform_2, window_bounds = array<i64: 2, 1000, 128>}, {transform_indices = @transform_3, window_bounds = array<i64: 1000, 128>}]} {
    %get3A = arith.constant 0 : index
    %get3A_0 = arith.constant 0 : index
    %get3A_1 = vector.load %arg1[%get3A, %get3A_0] : memref<1000x128xf32, #tpu.memory_space<vmem>>, vector<1000x128xf32>
    %get3A_2 = arith.constant 0 : index
    %get3A_3 = arith.constant 0 : index
    %get3A_4 = vector.load %arg2[%get3A_2, %get3A_3] : memref<128x128xf32, #tpu.memory_space<vmem>>, vector<128x128xf32>
    %dot_general3A = arith.constant dense<0.000000e+00> : vector<1000x128xf32>
    %dot_general3A_5 = tpu.matmul %get3A_1, %get3A_4, %dot_general3A {dimension_numbers = #tpu.dot_dimension_numbers<[1], [0], [0], [1], [0, 0, 1, 1], [], []>, transpose_lhs_hint = false} : vector<1000x128xf32>, vector<128x128xf32>, vector<1000x128xf32> -> vector<1000x128xf32>
    %get3A_6 = arith.constant 0 : index
    %get3A_7 = arith.constant 0 : index
    %get3A_8 = arith.constant 0 : index
    %get3A_9 = vector.load %arg3[%get3A_6, %get3A_7, %get3A_8] : memref<2x1000x128xf32, #tpu.memory_space<vmem>>, vector<1x1000x1xf32>
    %get3A_10 = vector.shape_cast %get3A_9 : vector<1x1000x1xf32> to vector<1000x1xf32>
    %get3A_11 = arith.constant 1 : index
    %get3A_12 = arith.constant 0 : index
    %get3A_13 = arith.constant 0 : index
    %get3A_14 = vector.load %arg3[%get3A_11, %get3A_12, %get3A_13] : memref<2x1000x128xf32, #tpu.memory_space<vmem>>, vector<1x1000x1xf32>
    %get3A_15 = vector.shape_cast %get3A_14 : vector<1x1000x1xf32> to vector<1000x1xf32>
    %add3A = arith.addf %get3A_10, %get3A_15 : vector<1000x1xf32>
    %add3A_16 = arith.constant 1.000000e+00 : f32
    %add3A_17 = vector.broadcast %add3A_16 : f32 to vector<1000x1xf32>
    %add3A_18 = arith.addf %add3A, %add3A_17 : vector<1000x1xf32>
    %rsqrt3A = math.rsqrt %add3A_18 : vector<1000x1xf32>
    %mul3A = vector.broadcast %rsqrt3A : vector<1000x1xf32> to vector<1000x128xf32>
    %mul3A_19 = arith.mulf %dot_general3A_5, %mul3A : vector<1000x128xf32>
    %swap3A = arith.constant 0 : index
    %swap3A_20 = arith.constant 0 : index
    %swap3A_21 = vector.load %arg4[%swap3A, %swap3A_20] : memref<1000x128xf32, #tpu.memory_space<vmem>>, vector<1000x128xf32>
    tpu.vector_store %arg4[%swap3A, %swap3A_20], %mul3A_19 {strides = array<i32>} : memref<1000x128xf32, #tpu.memory_space<vmem>>, vector<1000x128xf32>,
    return
  }
  func.func @transform_0(%arg0: i32) -> (i32, i32) {
    %c0_i32 = arith.constant 0 : i32
    %c0_i32_0 = arith.constant 0 : i32
    return %arg0, %c0_i32 : i32, i32
  }
  func.func @transform_1(%arg0: i32) -> (i32, i32) {
    %c0_i32 = arith.constant 0 : i32
    %c0_i32_0 = arith.constant 0 : i32
    %c0_i32_1 = arith.constant 0 : i32
    return %c0_i32, %c0_i32_0 : i32, i32
  }
  func.func @transform_2(%arg0: i32) -> (i32, i32, i32) {
    %c0_i32 = arith.constant 0 : i32
    %c0_i32_0 = arith.constant 0 : i32
    %c0_i32_1 = arith.constant 0 : i32
    return %c0_i32, %arg0, %c0_i32_0 : i32, i32, i32
  }
  func.func @transform_3(%arg0: i32) -> (i32, i32) {
    %c0_i32 = arith.constant 0 : i32
    %c0_i32_0 = arith.constant 0 : i32
    return %arg0, %c0_i32 : i32, i32
  }
}

module attributes {stable_mosaic.version = 14 : i64} {
  func.func @_mid_body(%arg0: i32, %arg1: memref<2x1000x128xf32, #tpu.memory_space<vmem>>, %arg2: memref<1000x128xf32, #tpu.memory_space<vmem>>, %arg3: memref<2x1000x128xf32, #tpu.memory_space<vmem>>, %arg4: memref<1x128xf32, #tpu.memory_space<vmem>>, %arg5: memref<128x128xf32, #tpu.memory_space<vmem>>, %arg6: memref<1000x128xf32, #tpu.memory_space<vmem>>) attributes {dimension_semantics = [#tpu.dimension_semantics<arbitrary>], iteration_bounds = array<i64: 10>, scalar_prefetch = 0 : i64, scratch_operands = 0 : i64, tpu.core_type = #tpu.core_type<tc>, window_params = [{transform_indices = @transform_0, window_bounds = array<i64: 2, 1000, 128>}, {transform_indices = @transform_1, window_bounds = array<i64: 1000, 128>}, {transform_indices = @transform_2, window_bounds = array<i64: 2, 1000, 128>}, {pipeline_mode = #tpu.pipeline_mode<synchronous>, transform_indices = @transform_3, window_bounds = array<i64: 1, 128>}, {pipeline_mode = #tpu.pipeline_mode<synchronous>, transform_indices = @transform_4, window_bounds = array<i64: 128, 128>}, {transform_indices = @transform_5, window_bounds = array<i64: 1000, 128>}]} {
    %get3A = arith.constant 0 : index
    %get3A_0 = arith.constant 0 : index
    %get3A_1 = arith.constant 0 : index
    %get3A_2 = vector.load %arg3[%get3A, %get3A_0, %get3A_1] : memref<2x1000x128xf32, #tpu.memory_space<vmem>>, vector<1x1000x1xf32>
    %get3A_3 = vector.shape_cast %get3A_2 : vector<1x1000x1xf32> to vector<1000x1xf32>
    %get3A_4 = arith.constant 1 : index
    %get3A_5 = arith.constant 0 : index
    %get3A_6 = arith.constant 0 : index
    %get3A_7 = vector.load %arg3[%get3A_4, %get3A_5, %get3A_6] : memref<2x1000x128xf32, #tpu.memory_space<vmem>>, vector<1x1000x1xf32>
    %get3A_8 = vector.shape_cast %get3A_7 : vector<1x1000x1xf32> to vector<1000x1xf32>
    %add3A = arith.addf %get3A_3, %get3A_8 : vector<1000x1xf32>
    %add3A_9 = arith.constant 1.000000e+00 : f32
    %add3A_10 = vector.broadcast %add3A_9 : f32 to vector<1000x1xf32>
    %add3A_11 = arith.addf %add3A, %add3A_10 : vector<1000x1xf32>
    %rsqrt3A = math.rsqrt %add3A_11 : vector<1000x1xf32>
    %get3A_12 = arith.constant 0 : index
    %get3A_13 = arith.constant 0 : index
    %get3A_14 = arith.constant 0 : index
    %get3A_15 = vector.load %arg1[%get3A_12, %get3A_13, %get3A_14] : memref<2x1000x128xf32, #tpu.memory_space<vmem>>, vector<1x1000x128xf32>
    %get3A_16 = vector.shape_cast %get3A_15 : vector<1x1000x128xf32> to vector<1000x128xf32>
    %get3A_17 = arith.constant 1 : index
    %get3A_18 = arith.constant 0 : index
    %get3A_19 = arith.constant 0 : index
    %get3A_20 = vector.load %arg1[%get3A_17, %get3A_18, %get3A_19] : memref<2x1000x128xf32, #tpu.memory_space<vmem>>, vector<1x1000x128xf32>
    %get3A_21 = vector.shape_cast %get3A_20 : vector<1x1000x128xf32> to vector<1000x128xf32>
    %add3A_22 = arith.addf %get3A_16, %get3A_21 : vector<1000x128xf32>
    %get3A_23 = arith.constant 0 : index
    %get3A_24 = arith.constant 0 : index
    %get3A_25 = vector.load %arg2[%get3A_23, %get3A_24] : memref<1000x128xf32, #tpu.memory_space<vmem>>, vector<1000x128xf32>
    %add3A_26 = arith.addf %add3A_22, %get3A_25 : vector<1000x128xf32>
    %mul3A = vector.broadcast %rsqrt3A : vector<1000x1xf32> to vector<1000x128xf32>
    %mul3A_27 = arith.mulf %add3A_26, %mul3A : vector<1000x128xf32>
    %get3A_28 = arith.constant 0 : index
    %get3A_29 = arith.constant 0 : index
    %get3A_30 = vector.load %arg4[%get3A_28, %get3A_29] : memref<1x128xf32, #tpu.memory_space<vmem>>, vector<1x128xf32>
    %add3A_31 = vector.broadcast %get3A_30 : vector<1x128xf32> to vector<1000x128xf32>
    %add3A_32 = arith.addf %mul3A_27, %add3A_31 : vector<1000x128xf32>
    %max3A = arith.constant 0.000000e+00 : f32
    %max3A_33 = vector.broadcast %max3A : f32 to vector<1000x128xf32>
    %max3A_34 = arith.maximumf %add3A_32, %max3A_33 : vector<1000x128xf32>
    %get3A_35 = arith.constant 0 : index
    %get3A_36 = arith.constant 0 : index
    %get3A_37 = vector.load %arg5[%get3A_35, %get3A_36] : memref<128x128xf32, #tpu.memory_space<vmem>>, vector<128x128xf32>
    %dot_general3A = arith.constant dense<0.000000e+00> : vector<1000x128xf32>
    %dot_general3A_38 = tpu.matmul %max3A_34, %get3A_37, %dot_general3A {dimension_numbers = #tpu.dot_dimension_numbers<[1], [0], [0], [1], [0, 0, 1, 1], [], []>, transpose_lhs_hint = false} : vector<1000x128xf32>, vector<128x128xf32>, vector<1000x128xf32> -> vector<1000x128xf32>
    %mul3A_39 = vector.broadcast %rsqrt3A : vector<1000x1xf32> to vector<1000x128xf32>
    %mul3A_40 = arith.mulf %dot_general3A_38, %mul3A_39 : vector<1000x128xf32>
    %swap3A = arith.constant 0 : index
    %swap3A_41 = arith.constant 0 : index
    %swap3A_42 = vector.load %arg6[%swap3A, %swap3A_41] : memref<1000x128xf32, #tpu.memory_space<vmem>>, vector<1000x128xf32>
    tpu.vector_store %arg6[%swap3A, %swap3A_41], %mul3A_40 {strides = array<i32>} : memref<1000x128xf32, #tpu.memory_space<vmem>>, vector<1000x128xf32>,
    return
  }
  func.func @transform_0(%arg0: i32) -> (i32, i32, i32) {
    %c0_i32 = arith.constant 0 : i32
    %c0_i32_0 = arith.constant 0 : i32
    %c0_i32_1 = arith.constant 0 : i32
    return %c0_i32, %arg0, %c0_i32_0 : i32, i32, i32
  }
  func.func @transform_1(%arg0: i32) -> (i32, i32) {
    %c0_i32 = arith.constant 0 : i32
    %c0_i32_0 = arith.constant 0 : i32
    return %arg0, %c0_i32 : i32, i32
  }
  func.func @transform_2(%arg0: i32) -> (i32, i32, i32) {
    %c0_i32 = arith.constant 0 : i32
    %c0_i32_0 = arith.constant 0 : i32
    %c0_i32_1 = arith.constant 0 : i32
    return %c0_i32, %arg0, %c0_i32_0 : i32, i32, i32
  }
  func.func @transform_3(%arg0: i32) -> (i32, i32) {
    %c0_i32 = arith.constant 0 : i32
    %c0_i32_0 = arith.constant 0 : i32
    %c0_i32_1 = arith.constant 0 : i32
    return %c0_i32, %c0_i32_0 : i32, i32
  }
  func.func @transform_4(%arg0: i32) -> (i32, i32) {
    %c0_i32 = arith.constant 0 : i32
    %c0_i32_0 = arith.constant 0 : i32
    %c0_i32_1 = arith.constant 0 : i32
    return %c0_i32, %c0_i32_0 : i32, i32
  }
  func.func @transform_5(%arg0: i32) -> (i32, i32) {
    %c0_i32 = arith.constant 0 : i32
    %c0_i32_0 = arith.constant 0 : i32
    return %arg0, %c0_i32 : i32, i32
  }
}

module attributes {stable_mosaic.version = 14 : i64} {
  func.func @_tail_body(%arg0: i32, %arg1: memref<2x1000x128xf32, #tpu.memory_space<vmem>>, %arg2: memref<1000x128xf32, #tpu.memory_space<vmem>>, %arg3: memref<2x1000x128xf32, #tpu.memory_space<vmem>>, %arg4: memref<1x128xf32, #tpu.memory_space<vmem>>, %arg5: memref<128x128xf32, #tpu.memory_space<vmem>>, %arg6: memref<1x128xf32, #tpu.memory_space<vmem>>, %arg7: memref<128x128xf32, #tpu.memory_space<vmem>>, %arg8: memref<1x128xf32, #tpu.memory_space<vmem>>, %arg9: memref<1000x128xf32, #tpu.memory_space<vmem>>) attributes {dimension_semantics = [#tpu.dimension_semantics<arbitrary>], iteration_bounds = array<i64: 10>, scalar_prefetch = 0 : i64, scratch_operands = 0 : i64, tpu.core_type = #tpu.core_type<tc>, window_params = [{transform_indices = @transform_0, window_bounds = array<i64: 2, 1000, 128>}, {transform_indices = @transform_1, window_bounds = array<i64: 1000, 128>}, {transform_indices = @transform_2, window_bounds = array<i64: 2, 1000, 128>}, {pipeline_mode = #tpu.pipeline_mode<synchronous>, transform_indices = @transform_3, window_bounds = array<i64: 1, 128>}, {pipeline_mode = #tpu.pipeline_mode<synchronous>, transform_indices = @transform_4, window_bounds = array<i64: 128, 128>}, {pipeline_mode = #tpu.pipeline_mode<synchronous>, transform_indices = @transform_5, window_bounds = array<i64: 1, 128>}, {pipeline_mode = #tpu.pipeline_mode<synchronous>, transform_indices = @transform_6, window_bounds = array<i64: 128, 128>}, {pipeline_mode = #tpu.pipeline_mode<synchronous>, transform_indices = @transform_7, window_bounds = array<i64: 1, 128>}, {transform_indices = @transform_8, window_bounds = array<i64: 1000, 128>}]} {
    %get3A = arith.constant 0 : index
    %get3A_0 = arith.constant 0 : index
    %get3A_1 = arith.constant 0 : index
    %get3A_2 = vector.load %arg3[%get3A, %get3A_0, %get3A_1] : memref<2x1000x128xf32, #tpu.memory_space<vmem>>, vector<1x1000x1xf32>
    %get3A_3 = vector.shape_cast %get3A_2 : vector<1x1000x1xf32> to vector<1000x1xf32>
    %get3A_4 = arith.constant 1 : index
    %get3A_5 = arith.constant 0 : index
    %get3A_6 = arith.constant 0 : index
    %get3A_7 = vector.load %arg3[%get3A_4, %get3A_5, %get3A_6] : memref<2x1000x128xf32, #tpu.memory_space<vmem>>, vector<1x1000x1xf32>
    %get3A_8 = vector.shape_cast %get3A_7 : vector<1x1000x1xf32> to vector<1000x1xf32>
    %add3A = arith.addf %get3A_3, %get3A_8 : vector<1000x1xf32>
    %add3A_9 = arith.constant 1.000000e+00 : f32
    %add3A_10 = vector.broadcast %add3A_9 : f32 to vector<1000x1xf32>
    %add3A_11 = arith.addf %add3A, %add3A_10 : vector<1000x1xf32>
    %rsqrt3A = math.rsqrt %add3A_11 : vector<1000x1xf32>
    %get3A_12 = arith.constant 0 : index
    %get3A_13 = arith.constant 0 : index
    %get3A_14 = arith.constant 0 : index
    %get3A_15 = vector.load %arg1[%get3A_12, %get3A_13, %get3A_14] : memref<2x1000x128xf32, #tpu.memory_space<vmem>>, vector<1x1000x128xf32>
    %get3A_16 = vector.shape_cast %get3A_15 : vector<1x1000x128xf32> to vector<1000x128xf32>
    %get3A_17 = arith.constant 1 : index
    %get3A_18 = arith.constant 0 : index
    %get3A_19 = arith.constant 0 : index
    %get3A_20 = vector.load %arg1[%get3A_17, %get3A_18, %get3A_19] : memref<2x1000x128xf32, #tpu.memory_space<vmem>>, vector<1x1000x128xf32>
    %get3A_21 = vector.shape_cast %get3A_20 : vector<1x1000x128xf32> to vector<1000x128xf32>
    %add3A_22 = arith.addf %get3A_16, %get3A_21 : vector<1000x128xf32>
    %get3A_23 = arith.constant 0 : index
    %get3A_24 = arith.constant 0 : index
    %get3A_25 = vector.load %arg2[%get3A_23, %get3A_24] : memref<1000x128xf32, #tpu.memory_space<vmem>>, vector<1000x128xf32>
    %add3A_26 = arith.addf %add3A_22, %get3A_25 : vector<1000x128xf32>
    %mul3A = vector.broadcast %rsqrt3A : vector<1000x1xf32> to vector<1000x128xf32>
    %mul3A_27 = arith.mulf %add3A_26, %mul3A : vector<1000x128xf32>
    %get3A_28 = arith.constant 0 : index
    %get3A_29 = arith.constant 0 : index
    %get3A_30 = vector.load %arg4[%get3A_28, %get3A_29] : memref<1x128xf32, #tpu.memory_space<vmem>>, vector<1x128xf32>
    %add3A_31 = vector.broadcast %get3A_30 : vector<1x128xf32> to vector<1000x128xf32>
    %add3A_32 = arith.addf %mul3A_27, %add3A_31 : vector<1000x128xf32>
    %max3A = arith.constant 0.000000e+00 : f32
    %max3A_33 = vector.broadcast %max3A : f32 to vector<1000x128xf32>
    %max3A_34 = arith.maximumf %add3A_32, %max3A_33 : vector<1000x128xf32>
    %get3A_35 = arith.constant 0 : index
    %get3A_36 = arith.constant 0 : index
    %get3A_37 = vector.load %arg5[%get3A_35, %get3A_36] : memref<128x128xf32, #tpu.memory_space<vmem>>, vector<128x128xf32>
    %dot_general3A = arith.constant dense<0.000000e+00> : vector<1000x128xf32>
    %dot_general3A_38 = tpu.matmul %max3A_34, %get3A_37, %dot_general3A {dimension_numbers = #tpu.dot_dimension_numbers<[1], [0], [0], [1], [0, 0, 1, 1], [], []>, transpose_lhs_hint = false} : vector<1000x128xf32>, vector<128x128xf32>, vector<1000x128xf32> -> vector<1000x128xf32>
    %get3A_39 = arith.constant 0 : index
    %get3A_40 = arith.constant 0 : index
    %get3A_41 = vector.load %arg6[%get3A_39, %get3A_40] : memref<1x128xf32, #tpu.memory_space<vmem>>, vector<1x128xf32>
    %add3A_42 = vector.broadcast %get3A_41 : vector<1x128xf32> to vector<1000x128xf32>
    %add3A_43 = arith.addf %dot_general3A_38, %add3A_42 : vector<1000x128xf32>
    %max3A_44 = arith.constant 0.000000e+00 : f32
    %max3A_45 = vector.broadcast %max3A_44 : f32 to vector<1000x128xf32>
    %max3A_46 = arith.maximumf %add3A_43, %max3A_45 : vector<1000x128xf32>
    %get3A_47 = arith.constant 0 : index
    %get3A_48 = arith.constant 0 : index
    %get3A_49 = vector.load %arg7[%get3A_47, %get3A_48] : memref<128x128xf32, #tpu.memory_space<vmem>>, vector<128x128xf32>
    %dot_general3A_50 = arith.constant dense<0.000000e+00> : vector<1000x128xf32>
    %dot_general3A_51 = tpu.matmul %max3A_46, %get3A_49, %dot_general3A_50 {dimension_numbers = #tpu.dot_dimension_numbers<[1], [0], [0], [1], [0, 0, 1, 1], [], []>, transpose_lhs_hint = false} : vector<1000x128xf32>, vector<128x128xf32>, vector<1000x128xf32> -> vector<1000x128xf32>
    %get3A_52 = arith.constant 0 : index
    %get3A_53 = arith.constant 0 : index
    %get3A_54 = vector.load %arg8[%get3A_52, %get3A_53] : memref<1x128xf32, #tpu.memory_space<vmem>>, vector<1x128xf32>
    %add3A_55 = vector.broadcast %get3A_54 : vector<1x128xf32> to vector<1000x128xf32>
    %add3A_56 = arith.addf %dot_general3A_51, %add3A_55 : vector<1000x128xf32>
    %swap3A = arith.constant 0 : index
    %swap3A_57 = arith.constant 0 : index
    %swap3A_58 = vector.load %arg9[%swap3A, %swap3A_57] : memref<1000x128xf32, #tpu.memory_space<vmem>>, vector<1000x128xf32>
    tpu.vector_store %arg9[%swap3A, %swap3A_57], %add3A_56 {strides = array<i32>} : memref<1000x128xf32, #tpu.memory_space<vmem>>, vector<1000x128xf32>,
    return
  }
  func.func @transform_0(%arg0: i32) -> (i32, i32, i32) {
    %c0_i32 = arith.constant 0 : i32
    %c0_i32_0 = arith.constant 0 : i32
    %c0_i32_1 = arith.constant 0 : i32
    return %c0_i32, %arg0, %c0_i32_0 : i32, i32, i32
  }
  func.func @transform_1(%arg0: i32) -> (i32, i32) {
    %c0_i32 = arith.constant 0 : i32
    %c0_i32_0 = arith.constant 0 : i32
    return %arg0, %c0_i32 : i32, i32
  }
  func.func @transform_2(%arg0: i32) -> (i32, i32, i32) {
    %c0_i32 = arith.constant 0 : i32
    %c0_i32_0 = arith.constant 0 : i32
    %c0_i32_1 = arith.constant 0 : i32
    return %c0_i32, %arg0, %c0_i32_0 : i32, i32, i32
  }
  func.func @transform_3(%arg0: i32) -> (i32, i32) {
    %c0_i32 = arith.constant 0 : i32
    %c0_i32_0 = arith.constant 0 : i32
    %c0_i32_1 = arith.constant 0 : i32
    return %c0_i32, %c0_i32_0 : i32, i32
  }
  func.func @transform_4(%arg0: i32) -> (i32, i32) {
    %c0_i32 = arith.constant 0 : i32
    %c0_i32_0 = arith.constant 0 : i32
    %c0_i32_1 = arith.constant 0 : i32
    return %c0_i32, %c0_i32_0 : i32, i32
  }
  func.func @transform_5(%arg0: i32) -> (i32, i32) {
    %c0_i32 = arith.constant 0 : i32
    %c0_i32_0 = arith.constant 0 : i32
    %c0_i32_1 = arith.constant 0 : i32
    return %c0_i32, %c0_i32_0 : i32, i32
  }
  func.func @transform_6(%arg0: i32) -> (i32, i32) {
    %c0_i32 = arith.constant 0 : i32
    %c0_i32_0 = arith.constant 0 : i32
    %c0_i32_1 = arith.constant 0 : i32
    return %c0_i32, %c0_i32_0 : i32, i32
  }
  func.func @transform_7(%arg0: i32) -> (i32, i32) {
    %c0_i32 = arith.constant 0 : i32
    %c0_i32_0 = arith.constant 0 : i32
    %c0_i32_1 = arith.constant 0 : i32
    return %c0_i32, %c0_i32_0 : i32, i32
  }
  func.func @transform_8(%arg0: i32) -> (i32, i32) {
    %c0_i32 = arith.constant 0 : i32
    %c0_i32_0 = arith.constant 0 : i32
    return %arg0, %c0_i32 : i32, i32
  }
}

</mosaic_0001>

<sc_bundles>
// kernel: kernel.11.cloned.1.call-start
scs
__scs_entry_jumppad:
0x0: {  	(pc) =	sbr.rel $0x88, $3  }
0x1: {  	(tag) =	ssettag $0x0;
	lr =	simm.s32 $0x1  }
0x2: {  	[smem:$0x3F97] =	sst lr;
	_ =	strace $0xD0000000  }
0x3: {  	_ = 	snop  }
0x4: {  	_ = 	snop  }
0x5: {  	_ = 	snop  }
0x6: {  	_ = 	snop  }
0x7: {  	_ = 	snop  }
__scs_overlays_trampoline_lowered:
0x8: {  	[smem:$0x3FA6] =	sst s0  }
0x9: {  	[smem:$0x3FA7] =	sst s1  }
0xa: {  	[smem:$0x3FA8] =	sst s2  }
0xb: {  	[smem:$0x3FA9] =	sst s3  }
0xc: {  	[smem:$0x3FAA] =	sst s4  }
0xd: {  	[smem:$0x3FAB] =	sst s5  }
0xe: {  	[smem:$0x3FAC] =	sst s6  }
0xf: {  	[smem:$0x3FAD] =	sst s7  }
0x10: {  	[smem:$0x3FAE] =	sst s8  }
0x11: {  	[smem:$0x3FAF] =	sst s9;
	s0 =	simm.s32 @!p0 $0x0  }
0x12: {  	s1 =	sld [smem:$0x3F95];
	s0 =	simm.s32 @p0 $0x1  }
0x13: {  	[smem:$0x3FB0] =	sst s0;
	s0 =	simm.s32 @!p1 $0x0  }
0x14: {  	s2 =	sld [smem:$0x3F94];
	s0 =	simm.s32 @p1 $0x1  }
0x15: {  	[smem:$0x3FB1] =	sst s0;
	s0 =	simm.s32 @!p2 $0x0  }
0x16: {  	s3 =	sld [smem:$0x3FDB];
	s0 =	simm.s32 @p2 $0x1  }
0x17: {  	s4 =	simm.s32 $0x1BF5;
	[smem:$0x3FB3] =	sst s0  }
0x18: {  	s0 =	sld [smem:$0x3F96];
	_ =	swait.ge [sflag:s4], $0x0  }
0x19: {  	s7 =	sld [smem:$0x3F97]  }
0x1a: {  	s8 =	sadd.s32 $0xFFFFE003, lr  }
0x1b: {  	s9 =	sadd.s32 $0xFFFFFEF7, lr;
	s5 =	simm.s32 $0xFFFFFFFF;
	p2 =	slt.u32 s8, $0xFFFFF086  }
0x1c: {  	p1 =	slt.u32 s9, $0xF7A;
	s5 =	simm.s32 @!p2 $0x0  }
0x1d: {  	s5 =	simm.s32 @p1 $0x1;
	p0 =	seq.s32 s7, s2  }
0x1e: {  	s7 =	smul.u32 @!p0 $0xF7A, s2;
	p2 =	seq.s32 @!p0 s5, $0x0  }
0x1f: {  	s9 =	smul.u32 $0xF7A, s1;
	s8 =	simm.s32 @!p0 $0x1BF5;
	p2 =	por !p2, p0  }
0x20: {  	[sflag:s8] =	ssyncset.s32 @!p0 $0xFFFFF086;
	s6 =	sadd.s32 @!p0 s3, s7;
	s7 =	simm.s32 @!p0 $0x108  }
0x21: {  	s3 =	sadd.s32 s3, s9;
	s6 =	sadd.s32 @!p0 $0x88, s6;
	s7 =	simm.s32 @p2 $0x1082  }
0x22: {  	[simem:s7], [sflag:s8] =	dma.local @!p0 [hbm:s6], $0xF7A  }
0x23: {  	s9 =	sor.u32 $0xD0000000, s2;
	s6 =	simm.s32 $0x108;
	_ =	swait.ge @!p0 [sflag:s8], $0x0  }
0x24: {  	s3 =	sadd.s32 $0x88, s3;
	s6 =	simm.s32 @!p1 $0x1082;
	[sflag:s4] =	ssyncset.s32 $0xFFFFF086  }
0x25: {  	[simem:s6], [sflag:s4] =	dma.local [hbm:s3], $0xF7A  }
0x26: {  	[smem:$0x3F97] =	sst s1;
	(tag) =	ssettag s2;
	_ =	strace s9  }
0x27: {  	s1 =	sld [smem:$0x3FA7]  }
0x28: {  	s2 =	sld [smem:$0x3FA8]  }
0x29: {  	s4 =	sld [smem:$0x3FAA]  }
0x2a: {  	p0 =	seq.s32 s5, $0x0;
	s5 =	sld [smem:$0x3FAB]  }
0x2b: {  	s6 =	sld [smem:$0x3FAC]  }
0x2c: {  	s7 =	sld [smem:$0x3FAD]  }
0x2d: {  	s3 =	simm.s32 $0x108;
	s8 =	sld [smem:$0x3FAE]  }
0x2e: {  	s3 =	simm.s32 @!p0 $0x1082;
	s9 =	sld [smem:$0x3FAF]  }
0x2f: {  	lr =	sadd.s32 s0, s3;
	s0 =	sld [smem:$0x3FA6]  }
0x30: {  	s3 =	sld [smem:$0x3FA9]  }
0x31: {  	[smem:$0x3FB2] =	sst s10  }
0x32: {  	s10 =	sld [smem:$0x3FB0];
	_ =	sdelay $0x3  }
0x33: {  	p0 =	seq.s32 s10, $0x1;
	s10 =	sld [smem:$0x3FB2];
	_ =	sdelay $0x3  }
0x34: {  	[smem:$0x3FB2] =	sst s10  }
0x35: {  	s10 =	sld [smem:$0x3FB1];
	_ =	sdelay $0x3  }
0x36: {  	p1 =	seq.s32 s10, $0x1;
	s10 =	sld [smem:$0x3FB2];
	_ =	sdelay $0x3  }
0x37: {  	[smem:$0x3FB2] =	sst s10  }
0x38: {  	s10 =	sld [smem:$0x3FB3]  }
0x39: {  	_ = 	snop;
	(pc) =	sbr.ind lr, $3  }
0x3a: {  	_ = 	snop  }
0x3b: {  	_ = 	snop  }
0x3c: {  	p2 =	seq.s32 s10, $0x1;
	s10 =	sld [smem:$0x3FB2]  }
0x3d: {  	_ =	shalt  }
0x3e: {  	_ =	shalt  }
0x3f: {  	_ =	shalt  }
0x40: {  	_ =	shalt  }
0x41: {  	_ =	shalt  }
0x42: {  	_ =	shalt  }
0x43: {  	_ =	shalt  }
0x44: {  	_ =	shalt  }
0x45: {  	_ =	shalt  }
0x46: {  	_ =	shalt  }
0x47: {  	_ =	shalt  }
0x48: {  	_ =	shalt  }
0x49: {  	_ =	shalt  }
0x4a: {  	_ =	shalt  }
0x4b: {  	_ =	shalt  }
0x4c: {  	_ =	shalt  }
0x4d: {  	_ =	shalt  }
0x4e: {  	_ =	shalt  }
0x4f: {  	_ =	shalt  }
0x50: {  	_ =	shalt  }
0x51: {  	_ =	shalt  }
0x52: {  	_ =	shalt  }
0x53: {  	_ =	shalt  }
0x54: {  	_ =	shalt  }
0x55: {  	_ =	shalt  }
0x56: {  	_ =	shalt  }
0x57: {  	_ =	shalt  }
0x58: {  	_ =	shalt  }
0x59: {  	_ =	shalt  }
0x5a: {  	_ =	shalt  }
0x5b: {  	_ =	shalt  }
0x5c: {  	_ =	shalt  }
0x5d: {  	_ =	shalt  }
0x5e: {  	_ =	shalt  }
0x5f: {  	_ =	shalt  }
0x60: {  	_ =	shalt  }
0x61: {  	_ =	shalt  }
0x62: {  	_ =	shalt  }
0x63: {  	_ =	shalt  }
0x64: {  	_ =	shalt  }
0x65: {  	_ =	shalt  }
0x66: {  	_ =	shalt  }
0x67: {  	_ =	shalt  }
0x68: {  	_ =	shalt  }
0x69: {  	_ =	shalt  }
0x6a: {  	_ =	shalt  }
0x6b: {  	_ =	shalt  }
0x6c: {  	_ =	shalt  }
0x6d: {  	_ =	shalt  }
0x6e: {  	_ =	shalt  }
0x6f: {  	_ =	shalt  }
0x70: {  	_ =	shalt  }
0x71: {  	_ =	shalt  }
0x72: {  	_ =	shalt  }
0x73: {  	_ =	shalt  }
0x74: {  	_ =	shalt  }
0x75: {  	_ =	shalt  }
0x76: {  	_ =	shalt  }
0x77: {  	_ =	shalt  }
0x78: {  	_ =	shalt  }
0x79: {  	_ =	shalt  }
0x7a: {  	_ =	shalt  }
0x7b: {  	_ =	shalt  }
0x7c: {  	_ =	shalt  }
0x7d: {  	_ =	shalt  }
0x7e: {  	_ =	shalt  }
0x7f: {  	_ =	shalt  }
0x80: {  	_ =	shalt  }
0x81: {  	_ =	shalt  }
0x82: {  	_ =	shalt  }
0x83: {  	_ =	shalt  }
0x84: {  	_ =	shalt  }
0x85: {  	_ =	shalt  }
0x86: {  	_ =	shalt  }
0x87: {  	_ =	shalt  }
.Lfunc_end0:
.L_simem_size_0:
called_computation.1_lowered:
.L_overlay_start_0:
0x88: {  	s2 =	sld [smem:$0x3FD9]  }
0x89: {  	s3 =	sld [smem:$0x3FFE];
	_ =	sdelay $0x1  }
0x8a: {  	s1 =	srdreg.scid  }
0x8b: {  	s0 =	sand.u32 $0x1, s1  }
0x8c: {  	s16 =	sshll.u32 s0, $0xA;
	s2 =	sadd.s32 s3, s2  }
0x8d: {  	s2 =	sadd.s32 s2, s16  }
0x8e: {  	[smem:$0x3FBE] =	sst s2  }
0x8f: {  	_ = 	snop  }
0x90: {  	(tm) =	ssettm $0x1  }
0x91: {  	s17 =	sld [smem:$0x3FFB];
	_ =	sdelay $0x3  }
0x92: {  	_ =	strace s17  }
0x93: {  	s2 =	sld [smem:$0x3FFC];
	_ =	sdelay $0x3  }
0x94: {  	_ =	strace s2  }
0x95: {  	s2 =	sld [smem:$0x3FFD];
	_ =	sdelay $0x3  }
0x96: {  	_ =	strace s2  }
0x97: {  	_ =	strace $0x8FFFFFFF  }
0x98: {  	s18 =	sld [smem:$0x3FDB];
	_ =	sdelay $0x1  }
0x99: {  	s19 =	simm.s32 $_scs_section_size  }
0x9a: {  	s4 =	simm.s32 $_size__tile_overlayer_lowered;
	s5 =	simm.s32 $_tile_overlayer_lowered  }
0x9b: {  	s22 =	simm.s32 $0x1BFF;
	s21 =	sshll.u32 s5, $0x1;
	s2 =	sadd.s32 s19, s18  }
0x9c: {  	s6 =	simm.s32 $0x0;
	s20 =	sshll.u32 s4, $0x1;
	s4 =	sadd.s32 s21, s2  }
0x9d: {  	[timem:s6], [sflag:s22] =	dma.local [hbm:s4], s20  }
0x9e: {  	_ =	swait.ge [sflag:s22], s20  }
0x9f: {  	s3 =	ssub.s32 $0x0, s20;
	[sflag:s22] =	ssyncset.done $0x0  }
0xa0: {  	[sflag:s22] =	ssyncadd.s32 s3;
	_ =	sdelay $0x1  }
0xa1: {  	s23 =	simm.s32 $0x1B8B  }
0xa2: {  	_ =	swait.ge [sflag:s23], $0x1  }
0xa3: {  	[sflag:s23] =	ssyncset.done $0x0  }
0xa4: {  	s25 =	simm.s32 $0x1B8E;
	s24 =	sld [smem:$0x3FFE];
	[sflag:s23] =	ssyncadd.s32 $0xFFFFFFFF  }
0xa5: {  	s26 =	simm.s32 $execute0_lowered;
	[smem:$0x3FD2] =	sst s25  }
0xa6: {  	s4 =	sshll.u32 s26, $0x1;
	_ =	strace $0x80000049;
	[dreg:$0x1] =	wrdreg $0xFFFFFFFF  }
0xa7: {  	s28 =	simm.s32 $_size_execute0_lowered;
	s2 =	sadd.s32 s2, s4;
	[dreg:$0x0] =	wrdreg $0x0  }
0xa8: {  	s4 =	sshll.u32 s28, $0x1;
	[dreg:$0x2] =	wrdreg s2  }
0xa9: {  	[dreg:$0x3] =	wrdreg s4  }
0xaa: {  	[dreg:$0x4] =	wrdreg $0xC0  }
0xab: {  	_ =	task [dreg:s6], $0x5FFFF  }
0xac: {  	[dreg:$0x1] =	wrdreg $0xFFFFFFFF  }
0xad: {  	[dreg:$0x0] =	wrdreg $0x60  }
0xae: {  	[dreg:$0x2] =	wrdreg s24  }
0xaf: {  	[dreg:$0x3] =	wrdreg $0x82000  }
0xb0: {  	[dreg:$0x4] =	wrdreg $0x9  }
0xb1: {  	_ =	task.clear_ibuf [dreg:s6], $0x5FFFF;
	_ =	strace $0x90000049  }
0xb2: {  	s29 =	simm.s32 $0x9;
	_ =	strace $0x8000004B  }
0xb3: {  	_ =	swait.ge [sflag:s29], $0x1  }
0xb4: {  	[sflag:s29] =	ssyncadd.s32 $0xFFFFFFFF  }
0xb5: {  	_ =	strace $0x9000004B  }
0xb6: {  	_ =	sfence  }
0xb7: {  	s30 =	sld [smem:$0x0];
	_ =	sdelay $0x2  }
0xb8: {  	s31 =	sshll.u32 s1, $0xD;
	s1 =	sshrl.u32 s1, $0x2  }
0xb9: {  	s3 =	sand.u32 $0x4000, s31;
	s1 =	sadd.s32 s1, s30  }
0xba: {  	s0 =	sor.u32 s3, s0;
	s1 =	sshll.u32 s1, $0x11  }
0xbb: {  	s0 =	sor.u32 s1, s0  }
0xbc: {  	s0 =	sadd.s32 $0x8F2B, s0  }
0xbd: {  	[sflag:s0] =	ssyncadd.remote.s32 $0x1  }
0xbe: {  	_ =	sfence.sel $0xFFFF  }
0xbf: {  	[dreg:$0x0] =	wrdreg $0xFFFFFFFF;
	(pc) =	sbr.abs _section_cstart, $3  }
0xc0: {  	[dreg:$0x1] =	wrdreg $0xFFFFFFFF  }
0xc1: {  	_ =	task.clear_ibuf [dreg:s6], $0x2FFFF;
	_ =	strace $0x9FFFFFFF  }
0xc2: {  	(tm) =	ssettm $0x7FFFFFFF  }
0xc3: {  	_ =	shalt  }
tec
execute0_lowered:
.L_overlay_start_1:
0x0: {  	(tag) =	ssettag $0x1  }
0x1: {  	s0 =	rddreg [dreg:$0x0]  }
0x2: {  	s2 =	rddreg [dreg:$0x1]  }
0x3: {  	s1 =	srdreg.scid;
	s5 =	stileid.u32  }
0x4: {  	s3 =	simm.s32 $0x0;
	s18 =	simm.s32 $0x7;
	s28 =	simm.s32 $0x4  }
0x5: {  	s29 =	simm.s32 $0x5;
	s30 =	simm.s32 $0x6;
	s31 =	simm.s32 $0x0  }
0x6: {  	s1 =	sand.u32 $0x1, s1;
	s6 =	smul.u32 $0x2800, s5;
	[smem:$0x7FF] =	sst s3  }
0x7: {  	s4 =	sadd.s32 $0x68400, s0;
	s16 =	sadd.s32 $0x5E400, s0;
	s9 =	smul.u32 $0x50000, s5  }
0x8: {  	s15 =	sadd.s32 $0x1A00, s0;
	s8 =	sadd.s32 $0xBA00, s0;
	s11 =	smul.u32 $0x5000, s5  }
0x9: {  	s20 =	sshll.u32 s5, $0x1;
	s24 =	sshll.u32 s5, $0x6;
	s7 =	smul.u32 $0x28000, s1  }
0xa: {  	_ =	strace $0x8000004A;
	[dreg:$0x3] =	wrdreg s8;
	s19 =	ssub.s32 $0x2, s1  }
0xb: {  	s8 =	sor.u32 s1, s20;
	s1 =	smul.u32 $0x2800, s1;
	s20 =	simm.s32 $0x80  }
0xc: {  	s21 =	sshrl.u32 s19, $0x1;
	s22 =	sshrl.u32 s9, $0x2;
	s23 =	smul.u32 $0x2800, s8  }
0xd: {  	s6 =	sadd.s32 s6, s7;
	s12 =	ssub.s32 s19, s21;
	s17 =	sadd.s32 s22, s2  }
0xe: {  	s1 =	sadd.s32 s1, s11;
	s19 =	simm.s32 $0x100;
	s21 =	simm.s32 $0x180  }
0xf: {  	s22 =	simm.s32 $0x1;
	s0 =	sadd.s32 s6, s0;
	s6 =	sor.u32 $0x1C07, s24  }
0x10: {  	s25 =	sshrl.u32 s23, $0x3;
	s26 =	sor.u32 $0x180, s1;
	s1 =	sor.u32 $0x100, s1  }
0x11: {  	s12 =	smax.u32 s12, $0x1;
	s17 =	sshrl.u32 s17, $0x3;
	s23 =	simm.s32 $0x200  }
0x12: {  	s24 =	simm.s32 $0x2;
	s7 =	sadd.s32 s16, s25;
	s8 =	sadd.s32 s15, s25  }
0x13: {  	s10 =	sor.u32 $0x10, s25;
	s11 =	sadd.s32 $0x8F600, s0;
	s0 =	sshrl.u32 s26, $0x3  }
0x14: {  	s1 =	sshrl.u32 s1, $0x3;
	s25 =	simm.s32 $0x4200;
	s26 =	simm.s32 $0x3  }
0x15: {  	s9 =	sadd.s32 s16, s10;
	s10 =	sadd.s32 s15, s10;
	s13 =	sadd.s32 s0, s15  }
0x16: {  	s14 =	sadd.s32 s0, s16;
	s15 =	sadd.s32 s1, s15;
	s16 =	sadd.s32 s1, s16  }
.LBB2_1:
0x17: {  	s0 =	rddreg [dreg:$0x3]  }
0x18: {  	[spmem:s17], [sflag:s6] =	dma.local [hbm:s0], $0x2800  }
0x19: {  	_ =	swait.ge [sflag:s18], $0x2800  }
0x1a: {  	[sflag:s18] =	ssyncset.done $0x0  }
0x1b: {  	[sflag:s18] =	ssyncadd.s32 $0xFFFFD800  }
0x1c: {  	[bflag:$0x0] =	sbarrier.arrive $0xFFFF  }
0x1d: {  	[tilespmem:s3], [sflag:$0x1] =	stream.linear.gather [hbm4b:s7+s3], $0x80, $0x38;
	[tilespmem:$0x1C200] =	vst v63  }
0x1e: {  	_ = 	snop  }
0x1f: {  	[tilespmem:s19], [sflag:$0x1] =	stream.linear.gather [hbm4b:s8+s3], $0x80, $0x38;
	[tilespmem:$0x1C200] =	vst v63  }
0x20: {  	_ = 	snop  }
0x21: {  	[tilespmem:s20], [sflag:$0x2] =	stream.linear.gather [hbm4b:s9+s3], $0x80, $0x38;
	[tilespmem:$0x1C200] =	vst v63  }
0x22: {  	_ = 	snop  }
0x23: {  	[tilespmem:s21], [sflag:$0x2] =	stream.linear.gather [hbm4b:s10+s3], $0x80, $0x38;
	[tilespmem:$0x1C200] =	vst v63  }
0x24: {  	_ =	swait.ge [sflag:s22], $0x80  }
0x25: {  	[sflag:s22] =	ssyncset.done $0x0  }
0x26: {  	[sflag:s22] =	ssyncadd.s32 $0xFFFFFF80  }
0x27: {  	_ =	swait.ge [sflag:s22], $0x80  }
0x28: {  	[sflag:s22] =	ssyncset.done $0x0  }
0x29: {  	[sflag:s22] =	ssyncadd.s32 $0xFFFFFF80  }
0x2a: {  	[tilespmem:s23], [sflag:$0x3] =	stream.indirect.gather [hbm4b:s4+s20], $0x80, s3, s20, $0xb8;
	[tilespmem:$0x1C200] =	vst v63  }
0x2b: {  	_ =	swait.ge [sflag:s24], $0x80  }
0x2c: {  	[sflag:s24] =	ssyncset.done $0x0  }
0x2d: {  	[sflag:s24] =	ssyncadd.s32 $0xFFFFFF80  }
0x2e: {  	_ =	swait.ge [sflag:s24], $0x80  }
0x2f: {  	[sflag:s24] =	ssyncset.done $0x0  }
0x30: {  	[sflag:s24] =	ssyncadd.s32 $0xFFFFFF80  }
0x31: {  	[tilespmem:s25], [sflag:$0x4] =	stream.indirect.gather [hbm4b:s4+s20], $0x80, s20, s20, $0xb8;
	[tilespmem:$0x1C200] =	vst v63  }
0x32: {  	_ =	swait.ge [sflag:s26], $0x4000  }
0x33: {  	[sflag:s26] =	ssyncset.done $0x0  }
0x34: {  	[sflag:s26] =	ssyncadd.s32 $0xFFFFC000  }
0x35: {  	[spmem:s2] =	stream.indirect.scatter.add.f32 [tilespmem:s23], [sflag:$0x5], $0x80, s19, s20, $0xb8;
	[tilespmem:$0x1C200] =	vst v63  }
0x36: {  	_ =	swait.ge [sflag:s28], $0x4000  }
0x37: {  	[sflag:s28] =	ssyncset.done $0x0  }
0x38: {  	[sflag:s28] =	ssyncadd.s32 $0xFFFFC000  }
0x39: {  	[spmem:s2] =	stream.indirect.scatter.add.f32 [tilespmem:s25], [sflag:$0x6], $0x80, s21, s20, $0xb8;
	[tilespmem:$0x1C200] =	vst v63  }
0x3a: {  	_ =	swait.ge [sflag:s29], $0x4000  }
0x3b: {  	[sflag:s29] =	ssyncset.done $0x0  }
0x3c: {  	[sflag:s29] =	ssyncadd.s32 $0xFFFFC000  }
0x3d: {  	_ =	swait.ge [sflag:s30], $0x4000  }
0x3e: {  	[sflag:s30] =	ssyncset.done $0x0  }
0x3f: {  	s5 =	sadd.s32 $0x0, s16;
	[sflag:s30] =	ssyncadd.s32 $0xFFFFC000  }
0x40: {  	[tilespmem:s3], [sflag:$0x1] =	stream.linear.gather [hbm4b:s5+s3], $0x80, $0x38;
	[tilespmem:$0x1C200] =	vst v63  }
0x41: {  	s1 =	sadd.s32 $0x0, s15  }
0x42: {  	[tilespmem:s19], [sflag:$0x1] =	stream.linear.gather [hbm4b:s1+s3], $0x80, $0x38;
	[tilespmem:$0x1C200] =	vst v63  }
0x43: {  	s0 =	simm.s32 $0x20;
	s5 =	sadd.s32 $0x0, s14;
	s1 =	sadd.s32 $0x0, s13  }
0x44: {  	[tilespmem:s20], [sflag:$0x2] =	stream.linear.gather [hbm4b:s5+s3], $0x80, $0x38;
	[tilespmem:$0x1C200] =	vst v63  }
.LBB2_2:
0x45: {  	[tilespmem:s21], [sflag:$0x2] =	stream.linear.gather [hbm4b:s1+s3], $0x80, $0x38;
	[tilespmem:$0x1C200] =	vst v63  }
0x46: {  	s1 =	smov.u32 s0  }
0x47: {  	p0 =	sne.s32 s0, $0x4C0;
	s0 =	sadd.s32 $0x20, s0;
	_ =	swait.ge [sflag:s22], $0x80  }
0x48: {  	[sflag:s22] =	ssyncset.done $0x0  }
0x49: {  	[sflag:s22] =	ssyncadd.s32 $0xFFFFFF80  }
0x4a: {  	_ =	swait.ge [sflag:s22], $0x80  }
0x4b: {  	[sflag:s22] =	ssyncset.done $0x0  }
0x4c: {  	[sflag:s22] =	ssyncadd.s32 $0xFFFFFF80  }
0x4d: {  	[tilespmem:s23], [sflag:$0x3] =	stream.indirect.gather [hbm4b:s4+s20], $0x80, s3, s20, $0xb8;
	[tilespmem:$0x1C200] =	vst v63  }
0x4e: {  	_ =	swait.ge [sflag:s24], $0x80  }
0x4f: {  	[sflag:s24] =	ssyncset.done $0x0  }
0x50: {  	[sflag:s24] =	ssyncadd.s32 $0xFFFFFF80  }
0x51: {  	_ =	swait.ge [sflag:s24], $0x80  }
0x52: {  	[sflag:s24] =	ssyncset.done $0x0  }
0x53: {  	[sflag:s24] =	ssyncadd.s32 $0xFFFFFF80  }
0x54: {  	[tilespmem:s25], [sflag:$0x4] =	stream.indirect.gather [hbm4b:s4+s20], $0x80, s20, s20, $0xb8;
	[tilespmem:$0x1C200] =	vst v63  }
0x55: {  	_ =	swait.ge [sflag:s26], $0x4000  }
0x56: {  	[sflag:s26] =	ssyncset.done $0x0  }
0x57: {  	[sflag:s26] =	ssyncadd.s32 $0xFFFFC000  }
0x58: {  	[spmem:s2] =	stream.indirect.scatter.add.f32 [tilespmem:s23], [sflag:$0x5], $0x80, s19, s20, $0xb8;
	[tilespmem:$0x1C200] =	vst v63  }
0x59: {  	_ =	swait.ge [sflag:s28], $0x4000  }
0x5a: {  	[sflag:s28] =	ssyncset.done $0x0  }
0x5b: {  	[sflag:s28] =	ssyncadd.s32 $0xFFFFC000  }
0x5c: {  	[spmem:s2] =	stream.indirect.scatter.add.f32 [tilespmem:s25], [sflag:$0x6], $0x80, s21, s20, $0xb8;
	[tilespmem:$0x1C200] =	vst v63  }
0x5d: {  	_ =	swait.ge [sflag:s29], $0x4000  }
0x5e: {  	[sflag:s29] =	ssyncset.done $0x0  }
0x5f: {  	[sflag:s29] =	ssyncadd.s32 $0xFFFFC000  }
0x60: {  	_ =	swait.ge [sflag:s30], $0x4000  }
0x61: {  	[sflag:s30] =	ssyncset.done $0x0  }
0x62: {  	s5 =	sadd.s32 s1, s16;
	[sflag:s30] =	ssyncadd.s32 $0xFFFFC000  }
0x63: {  	[tilespmem:s3], [sflag:$0x1] =	stream.linear.gather [hbm4b:s5+s3], $0x80, $0x38;
	[tilespmem:$0x1C200] =	vst v63  }
.Ltmp0:
0x64: {  	s5 =	sadd.s32 s1, s15;
	(pc) =	sbr.rel @p0 .LBB2_2-.Ltmp0, $4  }
0x65: {  	[tilespmem:s19], [sflag:$0x1] =	stream.linear.gather [hbm4b:s5+s3], $0x80, $0x38;
	[tilespmem:$0x1C200] =	vst v63  }
0x66: {  	s5 =	sadd.s32 s1, s14  }
0x67: {  	[tilespmem:s20], [sflag:$0x2] =	stream.linear.gather [hbm4b:s5+s3], $0x80, $0x38;
	[tilespmem:$0x1C200] =	vst v63  }
0x68: {  	s1 =	sadd.s32 s1, s13  }
0x69: {  	[tilespmem:s21], [sflag:$0x2] =	stream.linear.gather [hbm4b:s1+s3], $0x80, $0x38;
	[tilespmem:$0x1C200] =	vst v63  }
0x6a: {  	_ =	swait.ge [sflag:s22], $0x80  }
0x6b: {  	[sflag:s22] =	ssyncset.done $0x0  }
0x6c: {  	[sflag:s22] =	ssyncadd.s32 $0xFFFFFF80  }
0x6d: {  	_ =	swait.ge [sflag:s22], $0x80  }
0x6e: {  	[sflag:s22] =	ssyncset.done $0x0  }
0x6f: {  	[sflag:s22] =	ssyncadd.s32 $0xFFFFFF80  }
0x70: {  	[tilespmem:s23], [sflag:$0x3] =	stream.indirect.gather [hbm4b:s4+s20], $0x80, s3, s20, $0xb8;
	[tilespmem:$0x1C200] =	vst v63  }
0x71: {  	_ =	swait.ge [sflag:s24], $0x80  }
0x72: {  	[sflag:s24] =	ssyncset.done $0x0  }
0x73: {  	[sflag:s24] =	ssyncadd.s32 $0xFFFFFF80  }
0x74: {  	_ =	swait.ge [sflag:s24], $0x80  }
0x75: {  	[sflag:s24] =	ssyncset.done $0x0  }
0x76: {  	[sflag:s24] =	ssyncadd.s32 $0xFFFFFF80  }
0x77: {  	[tilespmem:s25], [sflag:$0x4] =	stream.indirect.gather [hbm4b:s4+s20], $0x80, s20, s20, $0xb8;
	[tilespmem:$0x1C200] =	vst v63  }
0x78: {  	_ =	swait.ge [sflag:s26], $0x4000  }
0x79: {  	[sflag:s26] =	ssyncset.done $0x0  }
0x7a: {  	[sflag:s26] =	ssyncadd.s32 $0xFFFFC000  }
0x7b: {  	[spmem:s2] =	stream.indirect.scatter.add.f32 [tilespmem:s23], [sflag:$0x5], $0x80, s19, s20, $0xb8;
	[tilespmem:$0x1C200] =	vst v63  }
0x7c: {  	_ =	swait.ge [sflag:s28], $0x4000  }
0x7d: {  	[sflag:s28] =	ssyncset.done $0x0  }
0x7e: {  	[sflag:s28] =	ssyncadd.s32 $0xFFFFC000  }
0x7f: {  	[spmem:s2] =	stream.indirect.scatter.add.f32 [tilespmem:s25], [sflag:$0x6], $0x80, s21, s20, $0xb8;
	[tilespmem:$0x1C200] =	vst v63  }
0x80: {  	_ =	swait.ge [sflag:s29], $0x4000  }
0x81: {  	[sflag:s29] =	ssyncset.done $0x0  }
0x82: {  	[sflag:s29] =	ssyncadd.s32 $0xFFFFC000  }
0x83: {  	_ =	swait.ge [sflag:s30], $0x4000  }
0x84: {  	s31 =	sadd.s32 $0x1, s31;
	[sflag:s30] =	ssyncset.done $0x0  }
0x85: {  	p0 =	sne.s32 s31, s12;
	[sflag:s30] =	ssyncadd.s32 $0xFFFFC000  }
.Ltmp1:
0x86: {  	[bflag:$0x0] =	sbarrier.arrive $0xFFFF;
	(pc) =	sbr.rel @p0 .LBB2_1-.Ltmp1, $4  }
0x87: {  	[hbm:s11], [sflag:s6] =	dma.local [spmem:s17], $0x2800  }
0x88: {  	_ =	swait.ge [sflag:s18], $0x2800  }
0x89: {  	[sflag:s18] =	ssyncset.done $0x0  }
0x8a: {  	[sflag:s18] =	ssyncadd.s32 $0xFFFFD800  }
0x8b: {  	_ =	sfence.sel $0x180000  }
0x8c: {  	[bflag:$0x0] =	sbarrier.arrive $0xFFFF  }
0x8d: {  	_ =	strace $0x9000004A  }
0x8e: {  	s0 =	stileid.u32;
	[bflag:$0x2] =	sbarrier.arrive $0xFFFF  }
0x8f: {  	p0 =	sne.s32 s0, $0x0;
	s0 =	rddreg [dreg:$0x2]  }
0x90: {  	s0 =	sadd.s32 @!p0 $0x100000, s0  }
0x91: {  	[sflag:s0] =	ssyncadd.tile.s32 @!p0 $0x1;
	_ =	shalt  }
.Lfunc_end2:
_tile_overlayer_lowered:
.L_overlay_start_2:
0x92: {  	(tag) =	ssettag $0x2  }
0x93: {  	s0 =	rddreg [dreg:$0x0];
	s2 =	stileid.u32  }
0x94: {  	s1 =	rddreg [dreg:$0x1];
	p0 =	sne.s32 s2, $0x0  }
0x95: {  	s3 =	rddreg [dreg:$0x2];
	[bflag:$0x3] =	sbarrier.arrive $0xFFFF;
	s2 =	simm.s32 @!p0 $0x1C07  }
0x96: {  	[timem:s3], [sflag:s2] =	dma.local @!p0 [hbm:s0], s1  }
0x97: {  	s0 =	simm.s32 @!p0 $0x7  }
0x98: {  	_ =	swait.ge @!p0 [sflag:s0], s1  }
0x99: {  	s1 =	ssub.s32 @!p0 $0x0, s1;
	[sflag:s0] =	ssyncset.done @!p0 $0x0  }
0x9a: {  	[sflag:s0] =	ssyncadd.s32 @!p0 s1  }
0x9b: {  	[bflag:$0x3] =	sbarrier.arrive $0xFFFF  }
0x9c: {  	_ =	shalt  }

// kernel: kernel.14.cloned.1.call-start
scs
__scs_entry_jumppad:
0x0: {  	(pc) =	sbr.rel $0x88, $3  }
0x1: {  	(tag) =	ssettag $0x0;
	lr =	simm.s32 $0x1  }
0x2: {  	[smem:$0x3F97] =	sst lr;
	_ =	strace $0xD0000000  }
0x3: {  	_ = 	snop  }
0x4: {  	_ = 	snop  }
0x5: {  	_ = 	snop  }
0x6: {  	_ = 	snop  }
0x7: {  	_ = 	snop  }
__scs_overlays_trampoline_lowered:
0x8: {  	[smem:$0x3FA6] =	sst s0  }
0x9: {  	[smem:$0x3FA7] =	sst s1  }
0xa: {  	[smem:$0x3FA8] =	sst s2  }
0xb: {  	[smem:$0x3FA9] =	sst s3  }
0xc: {  	[smem:$0x3FAA] =	sst s4  }
0xd: {  	[smem:$0x3FAB] =	sst s5  }
0xe: {  	[smem:$0x3FAC] =	sst s6  }
0xf: {  	[smem:$0x3FAD] =	sst s7  }
0x10: {  	[smem:$0x3FAE] =	sst s8  }
0x11: {  	[smem:$0x3FAF] =	sst s9;
	s0 =	simm.s32 @!p0 $0x0  }
0x12: {  	s1 =	sld [smem:$0x3F95];
	s0 =	simm.s32 @p0 $0x1  }
0x13: {  	[smem:$0x3FB0] =	sst s0;
	s0 =	simm.s32 @!p1 $0x0  }
0x14: {  	s2 =	sld [smem:$0x3F94];
	s0 =	simm.s32 @p1 $0x1  }
0x15: {  	[smem:$0x3FB1] =	sst s0;
	s0 =	simm.s32 @!p2 $0x0  }
0x16: {  	s3 =	sld [smem:$0x3FDB];
	s0 =	simm.s32 @p2 $0x1  }
0x17: {  	s4 =	simm.s32 $0x1BF5;
	[smem:$0x3FB3] =	sst s0  }
0x18: {  	s0 =	sld [smem:$0x3F96];
	_ =	swait.ge [sflag:s4], $0x0  }
0x19: {  	s7 =	sld [smem:$0x3F97]  }
0x1a: {  	s8 =	sadd.s32 $0xFFFFE003, lr  }
0x1b: {  	s9 =	sadd.s32 $0xFFFFFEF7, lr;
	s5 =	simm.s32 $0xFFFFFFFF;
	p2 =	slt.u32 s8, $0xFFFFF086  }
0x1c: {  	p1 =	slt.u32 s9, $0xF7A;
	s5 =	simm.s32 @!p2 $0x0  }
0x1d: {  	s5 =	simm.s32 @p1 $0x1;
	p0 =	seq.s32 s7, s2  }
0x1e: {  	s7 =	smul.u32 @!p0 $0xF7A, s2;
	p2 =	seq.s32 @!p0 s5, $0x0  }
0x1f: {  	s9 =	smul.u32 $0xF7A, s1;
	s8 =	simm.s32 @!p0 $0x1BF5;
	p2 =	por !p2, p0  }
0x20: {  	[sflag:s8] =	ssyncset.s32 @!p0 $0xFFFFF086;
	s6 =	sadd.s32 @!p0 s3, s7;
	s7 =	simm.s32 @!p0 $0x108  }
0x21: {  	s3 =	sadd.s32 s3, s9;
	s6 =	sadd.s32 @!p0 $0x88, s6;
	s7 =	simm.s32 @p2 $0x1082  }
0x22: {  	[simem:s7], [sflag:s8] =	dma.local @!p0 [hbm:s6], $0xF7A  }
0x23: {  	s9 =	sor.u32 $0xD0000000, s2;
	s6 =	simm.s32 $0x108;
	_ =	swait.ge @!p0 [sflag:s8], $0x0  }
0x24: {  	s3 =	sadd.s32 $0x88, s3;
	s6 =	simm.s32 @!p1 $0x1082;
	[sflag:s4] =	ssyncset.s32 $0xFFFFF086  }
0x25: {  	[simem:s6], [sflag:s4] =	dma.local [hbm:s3], $0xF7A  }
0x26: {  	[smem:$0x3F97] =	sst s1;
	(tag) =	ssettag s2;
	_ =	strace s9  }
0x27: {  	s1 =	sld [smem:$0x3FA7]  }
0x28: {  	s2 =	sld [smem:$0x3FA8]  }
0x29: {  	s4 =	sld [smem:$0x3FAA]  }
0x2a: {  	p0 =	seq.s32 s5, $0x0;
	s5 =	sld [smem:$0x3FAB]  }
0x2b: {  	s6 =	sld [smem:$0x3FAC]  }
0x2c: {  	s7 =	sld [smem:$0x3FAD]  }
0x2d: {  	s3 =	simm.s32 $0x108;
	s8 =	sld [smem:$0x3FAE]  }
0x2e: {  	s3 =	simm.s32 @!p0 $0x1082;
	s9 =	sld [smem:$0x3FAF]  }
0x2f: {  	lr =	sadd.s32 s0, s3;
	s0 =	sld [smem:$0x3FA6]  }
0x30: {  	s3 =	sld [smem:$0x3FA9]  }
0x31: {  	[smem:$0x3FB2] =	sst s10  }
0x32: {  	s10 =	sld [smem:$0x3FB0];
	_ =	sdelay $0x3  }
0x33: {  	p0 =	seq.s32 s10, $0x1;
	s10 =	sld [smem:$0x3FB2];
	_ =	sdelay $0x3  }
0x34: {  	[smem:$0x3FB2] =	sst s10  }
0x35: {  	s10 =	sld [smem:$0x3FB1];
	_ =	sdelay $0x3  }
0x36: {  	p1 =	seq.s32 s10, $0x1;
	s10 =	sld [smem:$0x3FB2];
	_ =	sdelay $0x3  }
0x37: {  	[smem:$0x3FB2] =	sst s10  }
0x38: {  	s10 =	sld [smem:$0x3FB3]  }
0x39: {  	_ = 	snop;
	(pc) =	sbr.ind lr, $3  }
0x3a: {  	_ = 	snop  }
0x3b: {  	_ = 	snop  }
0x3c: {  	p2 =	seq.s32 s10, $0x1;
	s10 =	sld [smem:$0x3FB2]  }
0x3d: {  	_ =	shalt  }
0x3e: {  	_ =	shalt  }
0x3f: {  	_ =	shalt  }
0x40: {  	_ =	shalt  }
0x41: {  	_ =	shalt  }
0x42: {  	_ =	shalt  }
0x43: {  	_ =	shalt  }
0x44: {  	_ =	shalt  }
0x45: {  	_ =	shalt  }
0x46: {  	_ =	shalt  }
0x47: {  	_ =	shalt  }
0x48: {  	_ =	shalt  }
0x49: {  	_ =	shalt  }
0x4a: {  	_ =	shalt  }
0x4b: {  	_ =	shalt  }
0x4c: {  	_ =	shalt  }
0x4d: {  	_ =	shalt  }
0x4e: {  	_ =	shalt  }
0x4f: {  	_ =	shalt  }
0x50: {  	_ =	shalt  }
0x51: {  	_ =	shalt  }
0x52: {  	_ =	shalt  }
0x53: {  	_ =	shalt  }
0x54: {  	_ =	shalt  }
0x55: {  	_ =	shalt  }
0x56: {  	_ =	shalt  }
0x57: {  	_ =	shalt  }
0x58: {  	_ =	shalt  }
0x59: {  	_ =	shalt  }
0x5a: {  	_ =	shalt  }
0x5b: {  	_ =	shalt  }
0x5c: {  	_ =	shalt  }
0x5d: {  	_ =	shalt  }
0x5e: {  	_ =	shalt  }
0x5f: {  	_ =	shalt  }
0x60: {  	_ =	shalt  }
0x61: {  	_ =	shalt  }
0x62: {  	_ =	shalt  }
0x63: {  	_ =	shalt  }
0x64: {  	_ =	shalt  }
0x65: {  	_ =	shalt  }
0x66: {  	_ =	shalt  }
0x67: {  	_ =	shalt  }
0x68: {  	_ =	shalt  }
0x69: {  	_ =	shalt  }
0x6a: {  	_ =	shalt  }
0x6b: {  	_ =	shalt  }
0x6c: {  	_ =	shalt  }
0x6d: {  	_ =	shalt  }
0x6e: {  	_ =	shalt  }
0x6f: {  	_ =	shalt  }
0x70: {  	_ =	shalt  }
0x71: {  	_ =	shalt  }
0x72: {  	_ =	shalt  }
0x73: {  	_ =	shalt  }
0x74: {  	_ =	shalt  }
0x75: {  	_ =	shalt  }
0x76: {  	_ =	shalt  }
0x77: {  	_ =	shalt  }
0x78: {  	_ =	shalt  }
0x79: {  	_ =	shalt  }
0x7a: {  	_ =	shalt  }
0x7b: {  	_ =	shalt  }
0x7c: {  	_ =	shalt  }
0x7d: {  	_ =	shalt  }
0x7e: {  	_ =	shalt  }
0x7f: {  	_ =	shalt  }
0x80: {  	_ =	shalt  }
0x81: {  	_ =	shalt  }
0x82: {  	_ =	shalt  }
0x83: {  	_ =	shalt  }
0x84: {  	_ =	shalt  }
0x85: {  	_ =	shalt  }
0x86: {  	_ =	shalt  }
0x87: {  	_ =	shalt  }
.Lfunc_end0:
.L_simem_size_0:
called_computation.2_lowered:
.L_overlay_start_0:
0x88: {  	s2 =	sld [smem:$0x3FD9]  }
0x89: {  	s3 =	sld [smem:$0x3FFE];
	_ =	sdelay $0x1  }
0x8a: {  	s1 =	srdreg.scid  }
0x8b: {  	s0 =	sand.u32 $0x1, s1  }
0x8c: {  	s16 =	sshll.u32 s0, $0xA;
	s2 =	sadd.s32 s3, s2  }
0x8d: {  	s2 =	sadd.s32 s2, s16  }
0x8e: {  	[smem:$0x3FBE] =	sst s2  }
0x8f: {  	_ = 	snop  }
0x90: {  	(tm) =	ssettm $0x1  }
0x91: {  	s17 =	sld [smem:$0x3FFB];
	_ =	sdelay $0x3  }
0x92: {  	_ =	strace s17  }
0x93: {  	s2 =	sld [smem:$0x3FFC];
	_ =	sdelay $0x3  }
0x94: {  	_ =	strace s2  }
0x95: {  	s2 =	sld [smem:$0x3FFD];
	_ =	sdelay $0x3  }
0x96: {  	_ =	strace s2  }
0x97: {  	_ =	strace $0x8FFFFFFF  }
0x98: {  	s18 =	sld [smem:$0x3FDB];
	_ =	sdelay $0x1  }
0x99: {  	s19 =	simm.s32 $_scs_section_size  }
0x9a: {  	s4 =	simm.s32 $_size__tile_overlayer_lowered;
	s5 =	simm.s32 $_tile_overlayer_lowered  }
0x9b: {  	s22 =	simm.s32 $0x1BFF;
	s21 =	sshll.u32 s5, $0x1;
	s2 =	sadd.s32 s19, s18  }
0x9c: {  	s6 =	simm.s32 $0x0;
	s20 =	sshll.u32 s4, $0x1;
	s4 =	sadd.s32 s21, s2  }
0x9d: {  	[timem:s6], [sflag:s22] =	dma.local [hbm:s4], s20  }
0x9e: {  	_ =	swait.ge [sflag:s22], s20  }
0x9f: {  	s3 =	ssub.s32 $0x0, s20;
	[sflag:s22] =	ssyncset.done $0x0  }
0xa0: {  	[sflag:s22] =	ssyncadd.s32 s3;
	_ =	sdelay $0x1  }
0xa1: {  	s23 =	simm.s32 $0x1B8B  }
0xa2: {  	_ =	swait.ge [sflag:s23], $0x1  }
0xa3: {  	[sflag:s23] =	ssyncset.done $0x0  }
0xa4: {  	s25 =	simm.s32 $0x1B8E;
	s24 =	sld [smem:$0x3FFE];
	[sflag:s23] =	ssyncadd.s32 $0xFFFFFFFF  }
0xa5: {  	s26 =	simm.s32 $execute0_lowered;
	[smem:$0x3FD2] =	sst s25  }
0xa6: {  	s4 =	sshll.u32 s26, $0x1;
	_ =	strace $0x8000004C;
	[dreg:$0x1] =	wrdreg $0xFFFFFFFF  }
0xa7: {  	s28 =	simm.s32 $_size_execute0_lowered;
	s2 =	sadd.s32 s2, s4;
	[dreg:$0x0] =	wrdreg $0x0  }
0xa8: {  	s4 =	sshll.u32 s28, $0x1;
	[dreg:$0x2] =	wrdreg s2  }
0xa9: {  	[dreg:$0x3] =	wrdreg s4  }
0xaa: {  	[dreg:$0x4] =	wrdreg $0xC0  }
0xab: {  	_ =	task [dreg:s6], $0x5FFFF  }
0xac: {  	[dreg:$0x1] =	wrdreg $0xFFFFFFFF  }
0xad: {  	[dreg:$0x0] =	wrdreg $0x60  }
0xae: {  	[dreg:$0x2] =	wrdreg s24  }
0xaf: {  	[dreg:$0x3] =	wrdreg $0x82000  }
0xb0: {  	[dreg:$0x4] =	wrdreg $0x9  }
0xb1: {  	_ =	task.clear_ibuf [dreg:s6], $0x5FFFF;
	_ =	strace $0x9000004C  }
0xb2: {  	s29 =	simm.s32 $0x9;
	_ =	strace $0x8000004E  }
0xb3: {  	_ =	swait.ge [sflag:s29], $0x1  }
0xb4: {  	[sflag:s29] =	ssyncadd.s32 $0xFFFFFFFF  }
0xb5: {  	_ =	strace $0x9000004E  }
0xb6: {  	_ =	sfence  }
0xb7: {  	s30 =	sld [smem:$0x0];
	_ =	sdelay $0x2  }
0xb8: {  	s31 =	sshll.u32 s1, $0xD;
	s1 =	sshrl.u32 s1, $0x2  }
0xb9: {  	s3 =	sand.u32 $0x4000, s31;
	s1 =	sadd.s32 s1, s30  }
0xba: {  	s0 =	sor.u32 s3, s0;
	s1 =	sshll.u32 s1, $0x11  }
0xbb: {  	s0 =	sor.u32 s1, s0  }
0xbc: {  	s0 =	sadd.s32 $0x8F2B, s0  }
0xbd: {  	[sflag:s0] =	ssyncadd.remote.s32 $0x1  }
0xbe: {  	_ =	sfence.sel $0xFFFF  }
0xbf: {  	[dreg:$0x0] =	wrdreg $0xFFFFFFFF;
	(pc) =	sbr.abs _section_cstart, $3  }
0xc0: {  	[dreg:$0x1] =	wrdreg $0xFFFFFFFF  }
0xc1: {  	_ =	task.clear_ibuf [dreg:s6], $0x2FFFF;
	_ =	strace $0x9FFFFFFF  }
0xc2: {  	(tm) =	ssettm $0x7FFFFFFF  }
0xc3: {  	_ =	shalt  }
tec
execute0_lowered:
.L_overlay_start_1:
0x0: {  	(tag) =	ssettag $0x1  }
0x1: {  	s0 =	rddreg [dreg:$0x0]  }
0x2: {  	s2 =	rddreg [dreg:$0x1]  }
0x3: {  	s1 =	srdreg.scid;
	s5 =	stileid.u32  }
0x4: {  	s3 =	simm.s32 $0x0;
	s18 =	simm.s32 $0x7;
	s28 =	simm.s32 $0x4  }
0x5: {  	s29 =	simm.s32 $0x5;
	s30 =	simm.s32 $0x6;
	s31 =	simm.s32 $0x0  }
0x6: {  	s1 =	sand.u32 $0x1, s1;
	s6 =	smul.u32 $0x2800, s5;
	[smem:$0x7FF] =	sst s3  }
0x7: {  	s4 =	sadd.s32 $0x68400, s0;
	s16 =	sadd.s32 $0x5E400, s0;
	s9 =	smul.u32 $0x50000, s5  }
0x8: {  	s15 =	sadd.s32 $0x1A00, s0;
	s8 =	sadd.s32 $0xBA00, s0;
	s11 =	smul.u32 $0x5000, s5  }
0x9: {  	s20 =	sshll.u32 s5, $0x1;
	s24 =	sshll.u32 s5, $0x6;
	s7 =	smul.u32 $0x28000, s1  }
0xa: {  	_ =	strace $0x8000004D;
	[dreg:$0x3] =	wrdreg s8;
	s19 =	ssub.s32 $0x2, s1  }
0xb: {  	s8 =	sor.u32 s1, s20;
	s1 =	smul.u32 $0x2800, s1;
	s20 =	simm.s32 $0x80  }
0xc: {  	s21 =	sshrl.u32 s19, $0x1;
	s22 =	sshrl.u32 s9, $0x2;
	s23 =	smul.u32 $0x2800, s8  }
0xd: {  	s6 =	sadd.s32 s6, s7;
	s12 =	ssub.s32 s19, s21;
	s17 =	sadd.s32 s22, s2  }
0xe: {  	s1 =	sadd.s32 s1, s11;
	s19 =	simm.s32 $0x100;
	s21 =	simm.s32 $0x180  }
0xf: {  	s22 =	simm.s32 $0x1;
	s0 =	sadd.s32 s6, s0;
	s6 =	sor.u32 $0x1C07, s24  }
0x10: {  	s25 =	sshrl.u32 s23, $0x3;
	s26 =	sor.u32 $0x180, s1;
	s1 =	sor.u32 $0x100, s1  }
0x11: {  	s12 =	smax.u32 s12, $0x1;
	s17 =	sshrl.u32 s17, $0x3;
	s23 =	simm.s32 $0x200  }
0x12: {  	s24 =	simm.s32 $0x2;
	s7 =	sadd.s32 s16, s25;
	s8 =	sadd.s32 s15, s25  }
0x13: {  	s10 =	sor.u32 $0x10, s25;
	s11 =	sadd.s32 $0x8F600, s0;
	s0 =	sshrl.u32 s26, $0x3  }
0x14: {  	s1 =	sshrl.u32 s1, $0x3;
	s25 =	simm.s32 $0x4200;
	s26 =	simm.s32 $0x3  }
0x15: {  	s9 =	sadd.s32 s16, s10;
	s10 =	sadd.s32 s15, s10;
	s13 =	sadd.s32 s0, s15  }
0x16: {  	s14 =	sadd.s32 s0, s16;
	s15 =	sadd.s32 s1, s15;
	s16 =	sadd.s32 s1, s16  }
.LBB2_1:
0x17: {  	s0 =	rddreg [dreg:$0x3]  }
0x18: {  	[spmem:s17], [sflag:s6] =	dma.local [hbm:s0], $0x2800  }
0x19: {  	_ =	swait.ge [sflag:s18], $0x2800  }
0x1a: {  	[sflag:s18] =	ssyncset.done $0x0  }
0x1b: {  	[sflag:s18] =	ssyncadd.s32 $0xFFFFD800  }
0x1c: {  	[bflag:$0x0] =	sbarrier.arrive $0xFFFF  }
0x1d: {  	[tilespmem:s3], [sflag:$0x1] =	stream.linear.gather [hbm4b:s7+s3], $0x80, $0x38;
	[tilespmem:$0x1C200] =	vst v63  }
0x1e: {  	_ = 	snop  }
0x1f: {  	[tilespmem:s19], [sflag:$0x1] =	stream.linear.gather [hbm4b:s8+s3], $0x80, $0x38;
	[tilespmem:$0x1C200] =	vst v63  }
0x20: {  	_ = 	snop  }
0x21: {  	[tilespmem:s20], [sflag:$0x2] =	stream.linear.gather [hbm4b:s9+s3], $0x80, $0x38;
	[tilespmem:$0x1C200] =	vst v63  }
0x22: {  	_ = 	snop  }
0x23: {  	[tilespmem:s21], [sflag:$0x2] =	stream.linear.gather [hbm4b:s10+s3], $0x80, $0x38;
	[tilespmem:$0x1C200] =	vst v63  }
0x24: {  	_ =	swait.ge [sflag:s22], $0x80  }
0x25: {  	[sflag:s22] =	ssyncset.done $0x0  }
0x26: {  	[sflag:s22] =	ssyncadd.s32 $0xFFFFFF80  }
0x27: {  	_ =	swait.ge [sflag:s22], $0x80  }
0x28: {  	[sflag:s22] =	ssyncset.done $0x0  }
0x29: {  	[sflag:s22] =	ssyncadd.s32 $0xFFFFFF80  }
0x2a: {  	[tilespmem:s23], [sflag:$0x3] =	stream.indirect.gather [hbm4b:s4+s20], $0x80, s3, s20, $0xb8;
	[tilespmem:$0x1C200] =	vst v63  }
0x2b: {  	_ =	swait.ge [sflag:s24], $0x80  }
0x2c: {  	[sflag:s24] =	ssyncset.done $0x0  }
0x2d: {  	[sflag:s24] =	ssyncadd.s32 $0xFFFFFF80  }
0x2e: {  	_ =	swait.ge [sflag:s24], $0x80  }
0x2f: {  	[sflag:s24] =	ssyncset.done $0x0  }
0x30: {  	[sflag:s24] =	ssyncadd.s32 $0xFFFFFF80  }
0x31: {  	[tilespmem:s25], [sflag:$0x4] =	stream.indirect.gather [hbm4b:s4+s20], $0x80, s20, s20, $0xb8;
	[tilespmem:$0x1C200] =	vst v63  }
0x32: {  	_ =	swait.ge [sflag:s26], $0x4000  }
0x33: {  	[sflag:s26] =	ssyncset.done $0x0  }
0x34: {  	[sflag:s26] =	ssyncadd.s32 $0xFFFFC000  }
0x35: {  	[spmem:s2] =	stream.indirect.scatter.add.f32 [tilespmem:s23], [sflag:$0x5], $0x80, s19, s20, $0xb8;
	[tilespmem:$0x1C200] =	vst v63  }
0x36: {  	_ =	swait.ge [sflag:s28], $0x4000  }
0x37: {  	[sflag:s28] =	ssyncset.done $0x0  }
0x38: {  	[sflag:s28] =	ssyncadd.s32 $0xFFFFC000  }
0x39: {  	[spmem:s2] =	stream.indirect.scatter.add.f32 [tilespmem:s25], [sflag:$0x6], $0x80, s21, s20, $0xb8;
	[tilespmem:$0x1C200] =	vst v63  }
0x3a: {  	_ =	swait.ge [sflag:s29], $0x4000  }
0x3b: {  	[sflag:s29] =	ssyncset.done $0x0  }
0x3c: {  	[sflag:s29] =	ssyncadd.s32 $0xFFFFC000  }
0x3d: {  	_ =	swait.ge [sflag:s30], $0x4000  }
0x3e: {  	[sflag:s30] =	ssyncset.done $0x0  }
0x3f: {  	s5 =	sadd.s32 $0x0, s16;
	[sflag:s30] =	ssyncadd.s32 $0xFFFFC000  }
0x40: {  	[tilespmem:s3], [sflag:$0x1] =	stream.linear.gather [hbm4b:s5+s3], $0x80, $0x38;
	[tilespmem:$0x1C200] =	vst v63  }
0x41: {  	s1 =	sadd.s32 $0x0, s15  }
0x42: {  	[tilespmem:s19], [sflag:$0x1] =	stream.linear.gather [hbm4b:s1+s3], $0x80, $0x38;
	[tilespmem:$0x1C200] =	vst v63  }
0x43: {  	s0 =	simm.s32 $0x20;
	s5 =	sadd.s32 $0x0, s14;
	s1 =	sadd.s32 $0x0, s13  }
0x44: {  	[tilespmem:s20], [sflag:$0x2] =	stream.linear.gather [hbm4b:s5+s3], $0x80, $0x38;
	[tilespmem:$0x1C200] =	vst v63  }
.LBB2_2:
0x45: {  	[tilespmem:s21], [sflag:$0x2] =	stream.linear.gather [hbm4b:s1+s3], $0x80, $0x38;
	[tilespmem:$0x1C200] =	vst v63  }
0x46: {  	s1 =	smov.u32 s0  }
0x47: {  	p0 =	sne.s32 s0, $0x4C0;
	s0 =	sadd.s32 $0x20, s0;
	_ =	swait.ge [sflag:s22], $0x80  }
0x48: {  	[sflag:s22] =	ssyncset.done $0x0  }
0x49: {  	[sflag:s22] =	ssyncadd.s32 $0xFFFFFF80  }
0x4a: {  	_ =	swait.ge [sflag:s22], $0x80  }
0x4b: {  	[sflag:s22] =	ssyncset.done $0x0  }
0x4c: {  	[sflag:s22] =	ssyncadd.s32 $0xFFFFFF80  }
0x4d: {  	[tilespmem:s23], [sflag:$0x3] =	stream.indirect.gather [hbm4b:s4+s20], $0x80, s3, s20, $0xb8;
	[tilespmem:$0x1C200] =	vst v63  }
0x4e: {  	_ =	swait.ge [sflag:s24], $0x80  }
0x4f: {  	[sflag:s24] =	ssyncset.done $0x0  }
0x50: {  	[sflag:s24] =	ssyncadd.s32 $0xFFFFFF80  }
0x51: {  	_ =	swait.ge [sflag:s24], $0x80  }
0x52: {  	[sflag:s24] =	ssyncset.done $0x0  }
0x53: {  	[sflag:s24] =	ssyncadd.s32 $0xFFFFFF80  }
0x54: {  	[tilespmem:s25], [sflag:$0x4] =	stream.indirect.gather [hbm4b:s4+s20], $0x80, s20, s20, $0xb8;
	[tilespmem:$0x1C200] =	vst v63  }
0x55: {  	_ =	swait.ge [sflag:s26], $0x4000  }
0x56: {  	[sflag:s26] =	ssyncset.done $0x0  }
0x57: {  	[sflag:s26] =	ssyncadd.s32 $0xFFFFC000  }
0x58: {  	[spmem:s2] =	stream.indirect.scatter.add.f32 [tilespmem:s23], [sflag:$0x5], $0x80, s19, s20, $0xb8;
	[tilespmem:$0x1C200] =	vst v63  }
0x59: {  	_ =	swait.ge [sflag:s28], $0x4000  }
0x5a: {  	[sflag:s28] =	ssyncset.done $0x0  }
0x5b: {  	[sflag:s28] =	ssyncadd.s32 $0xFFFFC000  }
0x5c: {  	[spmem:s2] =	stream.indirect.scatter.add.f32 [tilespmem:s25], [sflag:$0x6], $0x80, s21, s20, $0xb8;
	[tilespmem:$0x1C200] =	vst v63  }
0x5d: {  	_ =	swait.ge [sflag:s29], $0x4000  }
0x5e: {  	[sflag:s29] =	ssyncset.done $0x0  }
0x5f: {  	[sflag:s29] =	ssyncadd.s32 $0xFFFFC000  }
0x60: {  	_ =	swait.ge [sflag:s30], $0x4000  }
0x61: {  	[sflag:s30] =	ssyncset.done $0x0  }
0x62: {  	s5 =	sadd.s32 s1, s16;
	[sflag:s30] =	ssyncadd.s32 $0xFFFFC000  }
0x63: {  	[tilespmem:s3], [sflag:$0x1] =	stream.linear.gather [hbm4b:s5+s3], $0x80, $0x38;
	[tilespmem:$0x1C200] =	vst v63  }
.Ltmp0:
0x64: {  	s5 =	sadd.s32 s1, s15;
	(pc) =	sbr.rel @p0 .LBB2_2-.Ltmp0, $4  }
0x65: {  	[tilespmem:s19], [sflag:$0x1] =	stream.linear.gather [hbm4b:s5+s3], $0x80, $0x38;
	[tilespmem:$0x1C200] =	vst v63  }
0x66: {  	s5 =	sadd.s32 s1, s14  }
0x67: {  	[tilespmem:s20], [sflag:$0x2] =	stream.linear.gather [hbm4b:s5+s3], $0x80, $0x38;
	[tilespmem:$0x1C200] =	vst v63  }
0x68: {  	s1 =	sadd.s32 s1, s13  }
0x69: {  	[tilespmem:s21], [sflag:$0x2] =	stream.linear.gather [hbm4b:s1+s3], $0x80, $0x38;
	[tilespmem:$0x1C200] =	vst v63  }
0x6a: {  	_ =	swait.ge [sflag:s22], $0x80  }
0x6b: {  	[sflag:s22] =	ssyncset.done $0x0  }
0x6c: {  	[sflag:s22] =	ssyncadd.s32 $0xFFFFFF80  }
0x6d: {  	_ =	swait.ge [sflag:s22], $0x80  }
0x6e: {  	[sflag:s22] =	ssyncset.done $0x0  }
0x6f: {  	[sflag:s22] =	ssyncadd.s32 $0xFFFFFF80  }
0x70: {  	[tilespmem:s23], [sflag:$0x3] =	stream.indirect.gather [hbm4b:s4+s20], $0x80, s3, s20, $0xb8;
	[tilespmem:$0x1C200] =	vst v63  }
0x71: {  	_ =	swait.ge [sflag:s24], $0x80  }
0x72: {  	[sflag:s24] =	ssyncset.done $0x0  }
0x73: {  	[sflag:s24] =	ssyncadd.s32 $0xFFFFFF80  }
0x74: {  	_ =	swait.ge [sflag:s24], $0x80  }
0x75: {  	[sflag:s24] =	ssyncset.done $0x0  }
0x76: {  	[sflag:s24] =	ssyncadd.s32 $0xFFFFFF80  }
0x77: {  	[tilespmem:s25], [sflag:$0x4] =	stream.indirect.gather [hbm4b:s4+s20], $0x80, s20, s20, $0xb8;
	[tilespmem:$0x1C200] =	vst v63  }
0x78: {  	_ =	swait.ge [sflag:s26], $0x4000  }
0x79: {  	[sflag:s26] =	ssyncset.done $0x0  }
0x7a: {  	[sflag:s26] =	ssyncadd.s32 $0xFFFFC000  }
0x7b: {  	[spmem:s2] =	stream.indirect.scatter.add.f32 [tilespmem:s23], [sflag:$0x5], $0x80, s19, s20, $0xb8;
	[tilespmem:$0x1C200] =	vst v63  }
0x7c: {  	_ =	swait.ge [sflag:s28], $0x4000  }
0x7d: {  	[sflag:s28] =	ssyncset.done $0x0  }
0x7e: {  	[sflag:s28] =	ssyncadd.s32 $0xFFFFC000  }
0x7f: {  	[spmem:s2] =	stream.indirect.scatter.add.f32 [tilespmem:s25], [sflag:$0x6], $0x80, s21, s20, $0xb8;
	[tilespmem:$0x1C200] =	vst v63  }
0x80: {  	_ =	swait.ge [sflag:s29], $0x4000  }
0x81: {  	[sflag:s29] =	ssyncset.done $0x0  }
0x82: {  	[sflag:s29] =	ssyncadd.s32 $0xFFFFC000  }
0x83: {  	_ =	swait.ge [sflag:s30], $0x4000  }
0x84: {  	s31 =	sadd.s32 $0x1, s31;
	[sflag:s30] =	ssyncset.done $0x0  }
0x85: {  	p0 =	sne.s32 s31, s12;
	[sflag:s30] =	ssyncadd.s32 $0xFFFFC000  }
.Ltmp1:
0x86: {  	[bflag:$0x0] =	sbarrier.arrive $0xFFFF;
	(pc) =	sbr.rel @p0 .LBB2_1-.Ltmp1, $4  }
0x87: {  	[hbm:s11], [sflag:s6] =	dma.local [spmem:s17], $0x2800  }
0x88: {  	_ =	swait.ge [sflag:s18], $0x2800  }
0x89: {  	[sflag:s18] =	ssyncset.done $0x0  }
0x8a: {  	[sflag:s18] =	ssyncadd.s32 $0xFFFFD800  }
0x8b: {  	_ =	sfence.sel $0x180000  }
0x8c: {  	[bflag:$0x0] =	sbarrier.arrive $0xFFFF  }
0x8d: {  	_ =	strace $0x9000004D  }
0x8e: {  	s0 =	stileid.u32;
	[bflag:$0x2] =	sbarrier.arrive $0xFFFF  }
0x8f: {  	p0 =	sne.s32 s0, $0x0;
	s0 =	rddreg [dreg:$0x2]  }
0x90: {  	s0 =	sadd.s32 @!p0 $0x100000, s0  }
0x91: {  	[sflag:s0] =	ssyncadd.tile.s32 @!p0 $0x1;
	_ =	shalt  }
.Lfunc_end2:
_tile_overlayer_lowered:
.L_overlay_start_2:
0x92: {  	(tag) =	ssettag $0x2  }
0x93: {  	s0 =	rddreg [dreg:$0x0];
	s2 =	stileid.u32  }
0x94: {  	s1 =	rddreg [dreg:$0x1];
	p0 =	sne.s32 s2, $0x0  }
0x95: {  	s3 =	rddreg [dreg:$0x2];
	[bflag:$0x3] =	sbarrier.arrive $0xFFFF;
	s2 =	simm.s32 @!p0 $0x1C07  }
0x96: {  	[timem:s3], [sflag:s2] =	dma.local @!p0 [hbm:s0], s1  }
0x97: {  	s0 =	simm.s32 @!p0 $0x7  }
0x98: {  	_ =	swait.ge @!p0 [sflag:s0], s1  }
0x99: {  	s1 =	ssub.s32 @!p0 $0x0, s1;
	[sflag:s0] =	ssyncset.done @!p0 $0x0  }
0x9a: {  	[sflag:s0] =	ssyncadd.s32 @!p0 s1  }
0x9b: {  	[bflag:$0x3] =	sbarrier.arrive $0xFFFF  }
0x9c: {  	_ =	shalt  }

// kernel: kernel.8.cloned.1.call-start
scs
__scs_entry_jumppad:
0x0: {  	(pc) =	sbr.rel $0x88, $3  }
0x1: {  	(tag) =	ssettag $0x0;
	lr =	simm.s32 $0x1  }
0x2: {  	[smem:$0x3F97] =	sst lr;
	_ =	strace $0xD0000000  }
0x3: {  	_ = 	snop  }
0x4: {  	_ = 	snop  }
0x5: {  	_ = 	snop  }
0x6: {  	_ = 	snop  }
0x7: {  	_ = 	snop  }
__scs_overlays_trampoline_lowered:
0x8: {  	[smem:$0x3FA6] =	sst s0  }
0x9: {  	[smem:$0x3FA7] =	sst s1  }
0xa: {  	[smem:$0x3FA8] =	sst s2  }
0xb: {  	[smem:$0x3FA9] =	sst s3  }
0xc: {  	[smem:$0x3FAA] =	sst s4  }
0xd: {  	[smem:$0x3FAB] =	sst s5  }
0xe: {  	[smem:$0x3FAC] =	sst s6  }
0xf: {  	[smem:$0x3FAD] =	sst s7  }
0x10: {  	[smem:$0x3FAE] =	sst s8  }
0x11: {  	[smem:$0x3FAF] =	sst s9;
	s0 =	simm.s32 @!p0 $0x0  }
0x12: {  	s1 =	sld [smem:$0x3F95];
	s0 =	simm.s32 @p0 $0x1  }
0x13: {  	[smem:$0x3FB0] =	sst s0;
	s0 =	simm.s32 @!p1 $0x0  }
0x14: {  	s2 =	sld [smem:$0x3F94];
	s0 =	simm.s32 @p1 $0x1  }
0x15: {  	[smem:$0x3FB1] =	sst s0;
	s0 =	simm.s32 @!p2 $0x0  }
0x16: {  	s3 =	sld [smem:$0x3FDB];
	s0 =	simm.s32 @p2 $0x1  }
0x17: {  	s4 =	simm.s32 $0x1BF5;
	[smem:$0x3FB3] =	sst s0  }
0x18: {  	s0 =	sld [smem:$0x3F96];
	_ =	swait.ge [sflag:s4], $0x0  }
0x19: {  	s7 =	sld [smem:$0x3F97]  }
0x1a: {  	s8 =	sadd.s32 $0xFFFFE003, lr  }
0x1b: {  	s9 =	sadd.s32 $0xFFFFFEF7, lr;
	s5 =	simm.s32 $0xFFFFFFFF;
	p2 =	slt.u32 s8, $0xFFFFF086  }
0x1c: {  	p1 =	slt.u32 s9, $0xF7A;
	s5 =	simm.s32 @!p2 $0x0  }
0x1d: {  	s5 =	simm.s32 @p1 $0x1;
	p0 =	seq.s32 s7, s2  }
0x1e: {  	s7 =	smul.u32 @!p0 $0xF7A, s2;
	p2 =	seq.s32 @!p0 s5, $0x0  }
0x1f: {  	s9 =	smul.u32 $0xF7A, s1;
	s8 =	simm.s32 @!p0 $0x1BF5;
	p2 =	por !p2, p0  }
0x20: {  	[sflag:s8] =	ssyncset.s32 @!p0 $0xFFFFF086;
	s6 =	sadd.s32 @!p0 s3, s7;
	s7 =	simm.s32 @!p0 $0x108  }
0x21: {  	s3 =	sadd.s32 s3, s9;
	s6 =	sadd.s32 @!p0 $0x88, s6;
	s7 =	simm.s32 @p2 $0x1082  }
0x22: {  	[simem:s7], [sflag:s8] =	dma.local @!p0 [hbm:s6], $0xF7A  }
0x23: {  	s9 =	sor.u32 $0xD0000000, s2;
	s6 =	simm.s32 $0x108;
	_ =	swait.ge @!p0 [sflag:s8], $0x0  }
0x24: {  	s3 =	sadd.s32 $0x88, s3;
	s6 =	simm.s32 @!p1 $0x1082;
	[sflag:s4] =	ssyncset.s32 $0xFFFFF086  }
0x25: {  	[simem:s6], [sflag:s4] =	dma.local [hbm:s3], $0xF7A  }
0x26: {  	[smem:$0x3F97] =	sst s1;
	(tag) =	ssettag s2;
	_ =	strace s9  }
0x27: {  	s1 =	sld [smem:$0x3FA7]  }
0x28: {  	s2 =	sld [smem:$0x3FA8]  }
0x29: {  	s4 =	sld [smem:$0x3FAA]  }
0x2a: {  	p0 =	seq.s32 s5, $0x0;
	s5 =	sld [smem:$0x3FAB]  }
0x2b: {  	s6 =	sld [smem:$0x3FAC]  }
0x2c: {  	s7 =	sld [smem:$0x3FAD]  }
0x2d: {  	s3 =	simm.s32 $0x108;
	s8 =	sld [smem:$0x3FAE]  }
0x2e: {  	s3 =	simm.s32 @!p0 $0x1082;
	s9 =	sld [smem:$0x3FAF]  }
0x2f: {  	lr =	sadd.s32 s0, s3;
	s0 =	sld [smem:$0x3FA6]  }
0x30: {  	s3 =	sld [smem:$0x3FA9]  }
0x31: {  	[smem:$0x3FB2] =	sst s10  }
0x32: {  	s10 =	sld [smem:$0x3FB0];
	_ =	sdelay $0x3  }
0x33: {  	p0 =	seq.s32 s10, $0x1;
	s10 =	sld [smem:$0x3FB2];
	_ =	sdelay $0x3  }
0x34: {  	[smem:$0x3FB2] =	sst s10  }
0x35: {  	s10 =	sld [smem:$0x3FB1];
	_ =	sdelay $0x3  }
0x36: {  	p1 =	seq.s32 s10, $0x1;
	s10 =	sld [smem:$0x3FB2];
	_ =	sdelay $0x3  }
0x37: {  	[smem:$0x3FB2] =	sst s10  }
0x38: {  	s10 =	sld [smem:$0x3FB3]  }
0x39: {  	_ = 	snop;
	(pc) =	sbr.ind lr, $3  }
0x3a: {  	_ = 	snop  }
0x3b: {  	_ = 	snop  }
0x3c: {  	p2 =	seq.s32 s10, $0x1;
	s10 =	sld [smem:$0x3FB2]  }
0x3d: {  	_ =	shalt  }
0x3e: {  	_ =	shalt  }
0x3f: {  	_ =	shalt  }
0x40: {  	_ =	shalt  }
0x41: {  	_ =	shalt  }
0x42: {  	_ =	shalt  }
0x43: {  	_ =	shalt  }
0x44: {  	_ =	shalt  }
0x45: {  	_ =	shalt  }
0x46: {  	_ =	shalt  }
0x47: {  	_ =	shalt  }
0x48: {  	_ =	shalt  }
0x49: {  	_ =	shalt  }
0x4a: {  	_ =	shalt  }
0x4b: {  	_ =	shalt  }
0x4c: {  	_ =	shalt  }
0x4d: {  	_ =	shalt  }
0x4e: {  	_ =	shalt  }
0x4f: {  	_ =	shalt  }
0x50: {  	_ =	shalt  }
0x51: {  	_ =	shalt  }
0x52: {  	_ =	shalt  }
0x53: {  	_ =	shalt  }
0x54: {  	_ =	shalt  }
0x55: {  	_ =	shalt  }
0x56: {  	_ =	shalt  }
0x57: {  	_ =	shalt  }
0x58: {  	_ =	shalt  }
0x59: {  	_ =	shalt  }
0x5a: {  	_ =	shalt  }
0x5b: {  	_ =	shalt  }
0x5c: {  	_ =	shalt  }
0x5d: {  	_ =	shalt  }
0x5e: {  	_ =	shalt  }
0x5f: {  	_ =	shalt  }
0x60: {  	_ =	shalt  }
0x61: {  	_ =	shalt  }
0x62: {  	_ =	shalt  }
0x63: {  	_ =	shalt  }
0x64: {  	_ =	shalt  }
0x65: {  	_ =	shalt  }
0x66: {  	_ =	shalt  }
0x67: {  	_ =	shalt  }
0x68: {  	_ =	shalt  }
0x69: {  	_ =	shalt  }
0x6a: {  	_ =	shalt  }
0x6b: {  	_ =	shalt  }
0x6c: {  	_ =	shalt  }
0x6d: {  	_ =	shalt  }
0x6e: {  	_ =	shalt  }
0x6f: {  	_ =	shalt  }
0x70: {  	_ =	shalt  }
0x71: {  	_ =	shalt  }
0x72: {  	_ =	shalt  }
0x73: {  	_ =	shalt  }
0x74: {  	_ =	shalt  }
0x75: {  	_ =	shalt  }
0x76: {  	_ =	shalt  }
0x77: {  	_ =	shalt  }
0x78: {  	_ =	shalt  }
0x79: {  	_ =	shalt  }
0x7a: {  	_ =	shalt  }
0x7b: {  	_ =	shalt  }
0x7c: {  	_ =	shalt  }
0x7d: {  	_ =	shalt  }
0x7e: {  	_ =	shalt  }
0x7f: {  	_ =	shalt  }
0x80: {  	_ =	shalt  }
0x81: {  	_ =	shalt  }
0x82: {  	_ =	shalt  }
0x83: {  	_ =	shalt  }
0x84: {  	_ =	shalt  }
0x85: {  	_ =	shalt  }
0x86: {  	_ =	shalt  }
0x87: {  	_ =	shalt  }
.Lfunc_end0:
.L_simem_size_0:
called_computation_lowered:
.L_overlay_start_0:
0x88: {  	s2 =	sld [smem:$0x3FD9]  }
0x89: {  	s3 =	sld [smem:$0x3FFE];
	_ =	sdelay $0x1  }
0x8a: {  	s1 =	srdreg.scid  }
0x8b: {  	s0 =	sand.u32 $0x1, s1  }
0x8c: {  	s17 =	sshll.u32 s0, $0xA;
	s2 =	sadd.s32 s3, s2  }
0x8d: {  	s2 =	sadd.s32 s2, s17  }
0x8e: {  	[smem:$0x3FBE] =	sst s2  }
0x8f: {  	_ = 	snop  }
0x90: {  	s2 =	sld [smem:$0x3FD0];
	(tm) =	ssettm $0x1  }
0x91: {  	s18 =	sld [smem:$0x3FFB];
	_ =	sdelay $0x3  }
0x92: {  	_ =	strace s18  }
0x93: {  	s3 =	sld [smem:$0x3FFC];
	_ =	sdelay $0x3  }
0x94: {  	_ =	strace s3  }
0x95: {  	s3 =	sld [smem:$0x3FFD];
	_ =	sdelay $0x3  }
0x96: {  	_ =	strace s3  }
0x97: {  	_ =	strace $0x8FFFFFFF  }
0x98: {  	s19 =	sld [smem:$0x3FDB];
	_ =	sdelay $0x1  }
0x99: {  	s4 =	simm.s32 $_scs_section_size  }
0x9a: {  	s5 =	simm.s32 $_size__tile_overlayer_lowered;
	s6 =	simm.s32 $_tile_overlayer_lowered  }
0x9b: {  	s22 =	simm.s32 $0x1BFF;
	s21 =	sshll.u32 s6, $0x1;
	s3 =	sadd.s32 s4, s19  }
0x9c: {  	s7 =	simm.s32 $0x0;
	s20 =	sshll.u32 s5, $0x1;
	s5 =	sadd.s32 s21, s3  }
0x9d: {  	[timem:s7], [sflag:s22] =	dma.local [hbm:s5], s20  }
0x9e: {  	_ =	swait.ge [sflag:s22], s20  }
0x9f: {  	s4 =	ssub.s32 $0x0, s20;
	[sflag:s22] =	ssyncset.done $0x0  }
0xa0: {  	[sflag:s22] =	ssyncadd.s32 s4;
	_ =	sdelay $0x1  }
0xa1: {  	s23 =	simm.s32 $0x1B8B  }
0xa2: {  	_ =	swait.ge [sflag:s23], $0x1  }
0xa3: {  	[sflag:s23] =	ssyncset.done $0x0  }
0xa4: {  	s25 =	simm.s32 $0x1B8E;
	s24 =	sld [smem:$0x3FFE];
	[sflag:s23] =	ssyncadd.s32 $0xFFFFFFFF  }
0xa5: {  	s26 =	simm.s32 $execute0_lowered;
	[smem:$0x3FD2] =	sst s25  }
0xa6: {  	s5 =	sshll.u32 s26, $0x1;
	_ =	strace $0x80000046;
	[dreg:$0x1] =	wrdreg $0xFFFFFFFF  }
0xa7: {  	s28 =	simm.s32 $_size_execute0_lowered;
	s3 =	sadd.s32 s3, s5;
	[dreg:$0x0] =	wrdreg $0x0  }
0xa8: {  	s5 =	sshll.u32 s28, $0x1;
	[dreg:$0x2] =	wrdreg s3  }
0xa9: {  	[dreg:$0x3] =	wrdreg s5  }
0xaa: {  	[dreg:$0x4] =	wrdreg $0xC0  }
0xab: {  	_ =	task [dreg:s7], $0x5FFFF  }
0xac: {  	[dreg:$0x1] =	wrdreg $0xFFFFFFFF  }
0xad: {  	[dreg:$0x0] =	wrdreg $0x60  }
0xae: {  	[dreg:$0x2] =	wrdreg s24  }
0xaf: {  	[dreg:$0x3] =	wrdreg s2  }
0xb0: {  	[dreg:$0x4] =	wrdreg $0x40800  }
0xb1: {  	[dreg:$0x5] =	wrdreg $0x9  }
0xb2: {  	_ =	task.clear_ibuf [dreg:s7], $0x6FFFF;
	_ =	strace $0x90000046  }
0xb3: {  	s29 =	simm.s32 $0x9;
	_ =	strace $0x80000048  }
0xb4: {  	_ =	swait.ge [sflag:s29], $0x1  }
0xb5: {  	[sflag:s29] =	ssyncadd.s32 $0xFFFFFFFF  }
0xb6: {  	_ =	strace $0x90000048  }
0xb7: {  	_ =	sfence  }
0xb8: {  	s30 =	sld [smem:$0x0];
	_ =	sdelay $0x2  }
0xb9: {  	s31 =	sshll.u32 s1, $0xD;
	s1 =	sshrl.u32 s1, $0x2  }
0xba: {  	s3 =	sand.u32 $0x4000, s31;
	s1 =	sadd.s32 s1, s30  }
0xbb: {  	s0 =	sor.u32 s3, s0;
	s1 =	sshll.u32 s1, $0x11  }
0xbc: {  	s0 =	sor.u32 s1, s0  }
0xbd: {  	s0 =	sadd.s32 $0x8F2B, s0  }
0xbe: {  	[sflag:s0] =	ssyncadd.remote.s32 $0x1  }
0xbf: {  	_ =	sfence.sel $0xFFFF  }
0xc0: {  	[dreg:$0x0] =	wrdreg $0xFFFFFFFF;
	(pc) =	sbr.abs _section_cstart, $3  }
0xc1: {  	[dreg:$0x1] =	wrdreg $0xFFFFFFFF  }
0xc2: {  	_ =	task.clear_ibuf [dreg:s7], $0x2FFFF;
	_ =	strace $0x9FFFFFFF  }
0xc3: {  	(tm) =	ssettm $0x7FFFFFFF  }
tec
execute0_lowered:
.L_overlay_start_1:
0x0: {  	(tag) =	ssettag $0x1  }
0x1: {  	s6 =	rddreg [dreg:$0x0]  }
0x2: {  	s2 =	rddreg [dreg:$0x1]  }
0x3: {  	s3 =	rddreg [dreg:$0x2]  }
0x4: {  	s0 =	rddreg [dreg:$0x3];
	s1 =	stileid.u32  }
0x5: {  	s7 =	srdreg.scid;
	s5 =	smul.u32 $0xA00, s1  }
0x6: {  	s4 =	simm.s32 $0x0;
	s7 =	sand.u32 $0x1, s7;
	s8 =	smul.u32 $0x2800, s1  }
0x7: {  	[smem:$0x7FF] =	sst s4;
	s28 =	smul.u32 $0x50000, s1;
	s30 =	sshll.u32 s1, $0x6  }
0x8: {  	s9 =	smul.u32 $0x28000, s7;
	_ =	strace $0x80000047;
	s29 =	ssub.s32 $0x2, s7  }
0x9: {  	s12 =	smul.u32 $0x500, s7;
	s10 =	sadd.s32 s5, s6;
	s5 =	sadd.s32 $0xBA00, s6  }
0xa: {  	s11 =	sshrl.u32 s29, $0x1;
	s8 =	sadd.s32 s8, s9;
	s9 =	sshrl.u32 s28, $0x2  }
0xb: {  	s11 =	ssub.s32 s29, s11;
	s31 =	sadd.s32 s12, s10;
	s12 =	simm.s32 $0x80  }
0xc: {  	s8 =	sadd.s32 s8, s6;
	s13 =	sadd.s32 s9, s3;
	s6 =	sor.u32 $0x1C01, s30  }
0xd: {  	s9 =	sadd.s32 $0x1A00, s31;
	s7 =	sadd.s32 $0xE200, s8;
	s8 =	smax.u32 s11, $0x1  }
0xe: {  	s10 =	sshrl.u32 s13, $0x3;
	s11 =	simm.s32 $0x1;
	s13 =	simm.s32 $0x0  }
.LBB2_1:
0xf: {  	[spmem:s10], [sflag:s6] =	dma.local [hbm:s5], $0x2800  }
0x10: {  	_ =	swait.ge [sflag:s11], $0x2800  }
0x11: {  	[sflag:s11] =	ssyncset.done $0x0  }
0x12: {  	[sflag:s11] =	ssyncadd.s32 $0xFFFFD800  }
0x13: {  	[tilespmem:s12], [sflag:$0x1] =	stream.linear.gather [hbm4b:s2+s4], $0x4000, $0x38;
	[tilespmem:$0x18080] =	vst v63  }
0x14: {  	_ =	swait.ge [sflag:s11], $0x4000  }
0x15: {  	[sflag:s11] =	ssyncset.done $0x0  }
0x16: {  	[sflag:s11] =	ssyncadd.s32 $0xFFFFC000  }
0x17: {  	s14 =	sadd.s32 $0x0, s9;
	[bflag:$0x0] =	sbarrier.arrive $0xFFFF  }
0x18: {  	[tilespmem:s4], [sflag:$0x1] =	stream.linear.gather [hbm4b:s14+s4], $0x80, $0x38;
	[tilespmem:$0x18080] =	vst v63  }
0x19: {  	_ =	swait.ge [sflag:s11], $0x80  }
0x1a: {  	[sflag:s11] =	ssyncset.done $0x0  }
0x1b: {  	[sflag:s11] =	ssyncadd.s32 $0xFFFFFF80  }
0x1c: {  	[spmem:s3] =	stream.indirect.scatter.add.f32 [tilespmem:s12], [sflag:$0x1], $0x80, s4, s12, $0xb8;
	[tilespmem:$0x18080] =	vst v63  }
0x1d: {  	_ =	swait.ge [sflag:s11], $0x4000  }
0x1e: {  	s15 =	simm.s32 $0x20;
	s14 =	simm.s32 $0x10;
	[sflag:s11] =	ssyncset.done $0x0  }
.LBB2_2:
0x1f: {  	s16 =	sadd.s32 s14, s9  }
0x20: {  	[sflag:s11] =	ssyncadd.s32 $0xFFFFC000;
	s14 =	smov.u32 s15;
	s17 =	sadd.s32 $0x10, s15  }
0x21: {  	[tilespmem:s4], [sflag:$0x1] =	stream.linear.gather [hbm4b:s16+s4], $0x80, $0x38;
	[tilespmem:$0x18080] =	vst v63  }
0x22: {  	p0 =	sne.s32 s15, $0x4F0;
	_ =	swait.ge [sflag:s11], $0x80  }
.Ltmp0:
0x23: {  	[sflag:s11] =	ssyncset.done $0x0;
	(pc) =	sbr.rel @p0 .LBB2_2-.Ltmp0, $4  }
0x24: {  	[sflag:s11] =	ssyncadd.s32 $0xFFFFFF80  }
0x25: {  	[spmem:s3] =	stream.indirect.scatter.add.f32 [tilespmem:s12], [sflag:$0x1], $0x80, s4, s12, $0xb8;
	[tilespmem:$0x18080] =	vst v63  }
0x26: {  	_ =	swait.ge [sflag:s11], $0x4000  }
0x27: {  	s15 =	smov.u32 s17;
	[sflag:s11] =	ssyncset.done $0x0  }
0x28: {  	s14 =	sadd.s32 s14, s9;
	[sflag:s11] =	ssyncadd.s32 $0xFFFFC000  }
0x29: {  	[tilespmem:s4], [sflag:$0x1] =	stream.linear.gather [hbm4b:s14+s4], $0x80, $0x38;
	[tilespmem:$0x18080] =	vst v63  }
0x2a: {  	_ =	swait.ge [sflag:s11], $0x80  }
0x2b: {  	[sflag:s11] =	ssyncset.done $0x0  }
0x2c: {  	[sflag:s11] =	ssyncadd.s32 $0xFFFFFF80  }
0x2d: {  	[spmem:s3] =	stream.indirect.scatter.add.f32 [tilespmem:s12], [sflag:$0x1], $0x80, s4, s12, $0xb8;
	[tilespmem:$0x18080] =	vst v63  }
0x2e: {  	_ =	swait.ge [sflag:s11], $0x4000  }
0x2f: {  	s13 =	sadd.s32 $0x1, s13;
	[sflag:s11] =	ssyncset.done $0x0  }
0x30: {  	p0 =	sne.s32 s13, s8;
	[sflag:s11] =	ssyncadd.s32 $0xFFFFC000  }
.Ltmp1:
0x31: {  	[bflag:$0x0] =	sbarrier.arrive $0xFFFF;
	(pc) =	sbr.rel @p0 .LBB2_1-.Ltmp1, $4  }
0x32: {  	[hbm:s7], [sflag:s6] =	dma.local [spmem:s10], $0x2800  }
0x33: {  	_ =	swait.ge [sflag:s11], $0x2800  }
0x34: {  	[sflag:s11] =	ssyncset.done $0x0  }
0x35: {  	[sflag:s11] =	ssyncadd.s32 $0xFFFFD800  }
0x36: {  	_ =	sfence.sel $0x180000  }
0x37: {  	[bflag:$0x0] =	sbarrier.arrive $0xFFFF  }
0x38: {  	p0 =	sne.s32 s1, $0x0;
	_ =	strace $0x90000047  }
0x39: {  	s0 =	sadd.s32 @!p0 $0x100000, s0;
	[bflag:$0x2] =	sbarrier.arrive $0xFFFF  }
0x3a: {  	[sflag:s0] =	ssyncadd.tile.s32 @!p0 $0x1;
	_ =	shalt  }
.Lfunc_end2:
_tile_overlayer_lowered:
.L_overlay_start_2:
0x3b: {  	(tag) =	ssettag $0x2  }
0x3c: {  	s0 =	rddreg [dreg:$0x0];
	s2 =	stileid.u32  }
0x3d: {  	s1 =	rddreg [dreg:$0x1];
	p0 =	sne.s32 s2, $0x0  }
0x3e: {  	s3 =	rddreg [dreg:$0x2];
	[bflag:$0x3] =	sbarrier.arrive $0xFFFF;
	s2 =	simm.s32 @!p0 $0x1C01  }
0x3f: {  	[timem:s3], [sflag:s2] =	dma.local @!p0 [hbm:s0], s1  }
0x40: {  	s0 =	simm.s32 @!p0 $0x1  }
0x41: {  	_ =	swait.ge @!p0 [sflag:s0], s1  }
0x42: {  	s1 =	ssub.s32 @!p0 $0x0, s1;
	[sflag:s0] =	ssyncset.done @!p0 $0x0  }
0x43: {  	[sflag:s0] =	ssyncadd.s32 @!p0 s1  }
0x44: {  	[bflag:$0x3] =	sbarrier.arrive $0xFFFF  }
0x45: {  	_ =	shalt  }

</sc_bundles>
